<compile_context>
chip_gen: v7x
topology: tpu7x:2x2x1
jax: 0.10.2.dev20260603
libtpu: 0.0.44.dev20260713+nightly
codegen_flags: <defaults>
</compile_context>

<pallas_src>
import functools

import jax
import jax.numpy as jnp
from jax import lax
from jax.experimental import pallas as pl
from jax.experimental.pallas import tpu as pltpu
from jax.experimental.pallas import tpu_sc as plsc

_NUM_CORES = 2
_NUM_SUBCORES = 16
_NW = _NUM_CORES * _NUM_SUBCORES
_LANES = 16
_CH = 512


def _pack_mm_relu(x_cn, w):
    c, n = x_cn.shape

    def body(w_ref, x_ref, o_ref):
        t = jnp.maximum(
            jnp.dot(w_ref[...], x_ref[...],
                    preferred_element_type=jnp.float32),
            0.0)
        tb = t.astype(jnp.bfloat16)
        lo = lax.bitcast_convert_type(tb[:c // 2], jnp.uint16).astype(jnp.uint32)
        hi = lax.bitcast_convert_type(tb[c // 2:], jnp.uint16).astype(jnp.uint32)
        words = lax.bitcast_convert_type(lo | (hi << 16), jnp.int32)
        for r in range(c // 2):
            o_ref[pl.ds(r * n, n)] = words[r]

    return pl.pallas_call(
        body,
        in_specs=[
            pl.BlockSpec((c, c), lambda: (0, 0)),
            pl.BlockSpec((c, n), lambda: (0, 0)),
        ],
        out_specs=pl.BlockSpec((c // 2 * n,), lambda: (0,)),
        out_shape=jax.ShapeDtypeStruct((c // 2 * n,), jnp.int32),
    )(w, x_cn)


def _final(x_cn, aggr_words, wx, wa, bias_col):
    c, n = x_cn.shape
    n_pad = aggr_words.shape[1]

    def body(x_ref, a_ref, wx_ref, wa_ref, b_ref, o_ref):
        words = a_ref[:, :n]
        lo = lax.bitcast_convert_type(words << 16, jnp.float32)
        hi = lax.bitcast_convert_type(words & jnp.int32(-65536), jnp.float32)
        aggr = jnp.concatenate((lo, hi), axis=0)
        t = jnp.dot(wx_ref[...], x_ref[...],
                    preferred_element_type=jnp.float32)
        t += jnp.dot(wa_ref[...], aggr, preferred_element_type=jnp.float32)
        t = jnp.maximum(t, 0.0) + b_ref[...]
        norm = jnp.sqrt(jnp.sum(t * t, axis=0, keepdims=True))
        o_ref[0] = t / jnp.maximum(norm, 1e-12)

    return pl.pallas_call(
        body,
        in_specs=[
            pl.BlockSpec((c, n), lambda: (0, 0)),
            pl.BlockSpec((c // 2, n_pad), lambda: (0, 0)),
            pl.BlockSpec((c, c), lambda: (0, 0)),
            pl.BlockSpec((c, c), lambda: (0, 0)),
            pl.BlockSpec((c, 1), lambda: (0, 0)),
        ],
        out_specs=pl.BlockSpec((1, c, n), lambda: (0, 0, 0)),
        out_shape=jax.ShapeDtypeStruct((1, c, n), jnp.float32),
    )(x_cn, aggr_words, wx, wa, bias_col)


def _sc_gather_max(ztab_flat, idx_flat, n_tab, n_pad, k):
    npk = ztab_flat.size // n_tab
    half = n_pad // 2
    nchunks = half // _CH
    ngroups = _CH // _LANES
    assert half % _CH == 0 and nchunks % 2 == 0 and ngroups % 2 == 0
    mesh = plsc.VectorSubcoreMesh(
        core_axis_name="c", subcore_axis_name="s")

    @functools.partial(
        pl.kernel,
        out_type=jax.ShapeDtypeStruct((npk, n_pad), jnp.int32),
        mesh=mesh,
        compiler_params=pltpu.CompilerParams(
            use_tc_tiling_on_sc=False, needs_layout_passes=False),
        scratch_types=[
            pltpu.VMEM((4 * n_tab,), jnp.int32),
            pltpu.VMEM((2, _CH * k), jnp.int32),
            pltpu.VMEM((2, 4, _CH), jnp.int32),
            [pltpu.SemaphoreType.DMA] * 2,
            [pltpu.SemaphoreType.DMA] * 2,
        ],
    )
    def sc_kernel(z_hbm, idx_hbm, out_hbm, tab_v, idx_v, outb_v, isems, osems):
        wid = lax.axis_index("s") * _NUM_CORES + lax.axis_index("c")
        a0 = (wid % 16) * 4
        nbase = (wid // 16) * half

        pltpu.sync_copy(z_hbm.at[pl.ds(a0 * n_tab, 4 * n_tab)], tab_v)
        tabs = [tab_v.at[pl.ds(a * n_tab, n_tab)] for a in range(4)]
        iota_k = lax.iota(jnp.int32, _LANES) * k

        def idma(ci, s):
            start = jnp.minimum(nbase + ci * _CH, n_tab - _CH)
            return pltpu.make_async_copy(
                idx_hbm.at[pl.ds(start * k, _CH * k)],
                idx_v.at[s], isems[s])

        def odma(ci, s):
            return pltpu.make_async_copy(
                outb_v.at[s],
                out_hbm.at[pl.ds(a0, 4), pl.ds(nbase + ci * _CH, _CH)],
                osems[s])

        idma(0, 0).start()
        idma(1, 1).start()

        def chunk_pair(g, carry):
            for s in range(2):
                ci = g * 2 + s
                idma(ci, s).wait()

                @pl.when(ci >= 2)
                def _():
                    odma(ci - 2, s).wait()

                ib = idx_v.at[s]
                start = nbase + ci * _CH
                off_k = (start - jnp.minimum(start, n_tab - _CH)) * k

                @functools.partial(plsc.parallel_loop, 0, ngroups, unroll=2)
                def _(gp):
                    base = gp * (_LANES * k) + off_k
                    nids = [jnp.clip(
                        plsc.load_gather(
                            ib, [jnp.minimum(iota_k + (base + kk),
                                             _CH * k - 1)]),
                        0, n_tab - 1) for kk in range(k)]
                    sl = pl.ds(gp * _LANES, _LANES)
                    for a in range(4):
                        acc = plsc.bitcast(
                            plsc.load_gather(tabs[a], [nids[0]]),
                            jnp.bfloat16)
                        for kk in range(1, k):
                            v = plsc.bitcast(
                                plsc.load_gather(tabs[a], [nids[kk]]),
                                jnp.bfloat16)
                            acc = jnp.maximum(acc, v)
                        outb_v[s, a, sl] = plsc.bitcast(acc, jnp.int32)

                odma(ci, s).start()

                @pl.when(ci + 2 < nchunks)
                def _():
                    idma(ci + 2, s).start()
            return carry

        lax.fori_loop(0, nchunks // 2, chunk_pair, 0)
        odma(nchunks - 2, 0).wait()
        odma(nchunks - 1, 1).wait()

    return sc_kernel(ztab_flat, idx_flat)


def kernel(x, x_0, edge_index, W_pre, W_nn, bias):
    del x_0
    b, c, n, _ = x.shape
    k = edge_index.shape[-1]
    n_pad = ((n + 2 * _CH - 1) // (2 * _CH)) * (2 * _CH)

    x_cn = x[0, :, :, 0]
    idx_flat = edge_index[0, 0].reshape(-1)
    ztab = _pack_mm_relu(x_cn, W_pre)
    aggr_words = _sc_gather_max(ztab, idx_flat, n, n_pad, k)
    out = _final(x_cn, aggr_words, W_nn[:, :c], W_nn[:, c:],
                 bias.reshape(c, 1))
    return out.reshape(b, c, n, 1)

# --- scband reference (transcript-rebuilt; emitter-appended) ---
"""Pipeline reference for scband-rsageconv2d-6150393168696 (READ-ONLY COPY).

The authoritative reference and input builder live on the scoring server;
editing this copy changes nothing except your own understanding.
"""

import jax, jax.numpy as jnp
import numpy as np


def batched_index_select(x, idx):
    # x: [B, C, N, 1], idx: [B, N, K] -> [B, C, N, K]
    xt = jnp.transpose(x[..., 0], (0, 2, 1))  # [B, N, C]
    feat = jax.vmap(lambda xb, ib: xb[ib])(xt, idx)  # [B, N, K, C]
    return jnp.transpose(feat, (0, 3, 1, 2))


def setup_inputs(seed: int = 0):
    key = jax.random.key(seed)
    ks = jax.random.split(key, 6)
    B, C_in, N, K = 1, 128, 10000, 32
    C_out = 128
    x = jax.random.normal(ks[0], (B, C_in, N, 1), dtype=jnp.float32)
    x_0 = jax.random.normal(ks[1], (B, C_in, N, 1), dtype=jnp.float32)
    edge_index = jax.random.randint(ks[2], (2, B, N, K), 0, N, dtype=jnp.int32)
    W_pre = jax.random.normal(ks[3], (C_out, C_in), dtype=jnp.float32) * 0.05
    W_nn = jax.random.normal(ks[4], (C_out, C_out + C_in), dtype=jnp.float32) * 0.05
    bias = jax.random.normal(ks[5], (1, C_out, 1, 1), dtype=jnp.float32) * 0.05
    return {"x": x, "x_0": x_0, "edge_index": edge_index,
            "W_pre": W_pre, "W_nn": W_nn, "bias": bias}


def reference(x, x_0, edge_index, W_pre, W_nn, bias):
    # x_j = gather of neighbor features: [B, C_in, N, K]
    x_j = batched_index_select(x, edge_index[0])
    # pre_nn: 1x1 Conv2d (bias=False) + relu, relative=False branch
    x_j = jax.nn.relu(jnp.einsum('oc,bcnk->bonk', W_pre, x_j))
    # max aggregation over neighbors
    aggr_out = jnp.max(x_j, axis=-1, keepdims=True)  # [B, C_out, N, 1]
    # nn: 1x1 Conv2d over concat([x, aggr_out]) + relu
    h = jnp.concatenate((x, aggr_out), axis=1)  # [B, C_in + C_out, N, 1]
    out = jax.nn.relu(jnp.einsum('oc,bcnk->bonk', W_nn, h))
    out = out + bias
    # F.normalize(out, dim=1), eps=1e-12
    norm = jnp.sqrt(jnp.sum(out * out, axis=1, keepdims=True))
    out = out / jnp.maximum(norm, 1e-12)
    return out

if __name__ == "__main__":
    import jax
    _d = setup_inputs()
    print(jax.jit(kernel)(*tuple(_d.values())))

</pallas_src>

<mosaic_0001>
#map = affine_map<(d0, d1) -> (0)>
#map1 = affine_map<(d0, d1) -> (0, 0)>
module attributes {stable_mosaic.version = 14 : i64} {
  func.func @sc_kernel(%arg0: i32, %arg1: i32, %arg2: memref<640000xi32, #tpu.memory_space<hbm>>, %arg3: memref<320000xi32, #tpu.memory_space<hbm>>, %arg4: memref<64x10240xi32, #tpu.memory_space<hbm>>, %arg5: memref<40000xi32, #tpu.memory_space<vmem>>, %arg6: memref<2x16384xi32, #tpu.memory_space<vmem>>, %arg7: memref<2x4x512xi32, #tpu.memory_space<vmem>>, %arg8: memref<!tpu.dma_semaphore, #tpu.memory_space<semaphore_mem>>, %arg9: memref<!tpu.dma_semaphore, #tpu.memory_space<semaphore_mem>>, %arg10: memref<!tpu.dma_semaphore, #tpu.memory_space<semaphore_mem>>, %arg11: memref<!tpu.dma_semaphore, #tpu.memory_space<semaphore_mem>>) attributes {dimension_semantics = [#tpu.dimension_semantics<core_parallel>, #tpu.dimension_semantics<subcore_parallel>], iteration_bounds = array<i64: 2, 16>, scalar_prefetch = 0 : i64, scratch_operands = 7 : i64, tpu.core_type = #tpu.core_type<sc_vector_subcore>, window_params = [{transform_indices = #map}, {transform_indices = #map}, {transform_indices = #map1}]} {
    %mul3A = arith.constant 2 : i32
    %mul3A_0 = arith.muli %arg1, %mul3A : i32
    %add3A = arith.addi %mul3A_0, %arg0 : i32
    %jit3A = arith.constant 16 : i32
    %eq3A = arith.constant 0 : i32
    %eq3A_1 = arith.cmpi eq, %jit3A, %eq3A : i32
    %jit3A_2 = arith.constant 1 : i32
    %select_n3A = arith.select %eq3A_1, %jit3A_2, %jit3A : i32
    %rem3A = arith.remsi %add3A, %select_n3A : i32
    %ne3A = arith.constant 0 : i32
    %ne3A_3 = arith.cmpi ne, %rem3A, %ne3A : i32
    %lt3A = arith.constant 0 : i32
    %lt3A_4 = arith.cmpi slt, %rem3A, %lt3A : i32
    %lt3A_5 = arith.constant 0 : i32
    %lt3A_6 = arith.cmpi slt, %select_n3A, %lt3A_5 : i32
    %ne3A_7 = arith.xori %lt3A_4, %lt3A_6 : i1
    %and3A = arith.andi %ne3A_7, %ne3A_3 : i1
    %add3A_8 = arith.addi %rem3A, %select_n3A : i32
    %select_n3A_9 = arith.select %and3A, %add3A_8, %rem3A : i32
    %mul3A_10 = arith.constant 4 : i32
    %mul3A_11 = arith.muli %select_n3A_9, %mul3A_10 : i32
    %jit3A_12 = arith.constant 16 : i32
    %div3A = arith.divsi %add3A, %jit3A_12 : i32
    %sign3A = arith.constant 0 : i32
    %sign3A_13 = arith.cmpi sgt, %add3A, %sign3A : i32
    %sign3A_14 = arith.extui %sign3A_13 : i1 to i32
    %sign3A_15 = arith.constant 0 : i32
    %sign3A_16 = arith.cmpi slt, %add3A, %sign3A_15 : i32
    %sign3A_17 = arith.extui %sign3A_16 : i1 to i32
    %sign3A_18 = arith.subi %sign3A_14, %sign3A_17 : i32
    %sign3A_19 = arith.constant 0 : i32
    %sign3A_20 = arith.cmpi sgt, %jit3A_12, %sign3A_19 : i32
    %sign3A_21 = arith.extui %sign3A_20 : i1 to i32
    %sign3A_22 = arith.constant 0 : i32
    %sign3A_23 = arith.cmpi slt, %jit3A_12, %sign3A_22 : i32
    %sign3A_24 = arith.extui %sign3A_23 : i1 to i32
    %sign3A_25 = arith.subi %sign3A_21, %sign3A_24 : i32
    %ne3A_26 = arith.cmpi ne, %sign3A_18, %sign3A_25 : i32
    %rem3A_27 = arith.remsi %add3A, %jit3A_12 : i32
    %ne3A_28 = arith.constant 0 : i32
    %ne3A_29 = arith.cmpi ne, %rem3A_27, %ne3A_28 : i32
    %and3A_30 = arith.andi %ne3A_26, %ne3A_29 : i1
    %sub3A = arith.constant 1 : i32
    %sub3A_31 = arith.subi %div3A, %sub3A : i32
    %select_n3A_32 = arith.select %and3A_30, %sub3A_31, %div3A : i32
    %mul3A_33 = arith.constant 5120 : i32
    %mul3A_34 = arith.muli %select_n3A_32, %mul3A_33 : i32
    %mul3A_35 = arith.constant 10000 : i32
    %mul3A_36 = arith.muli %mul3A_11, %mul3A_35 : i32
    "tpu.region"() ({
      %run_scoped3A = tpu.sem_alloc : memref<!tpu.dma_semaphore, #tpu.memory_space<semaphore_mem>>
      %dma_start3A_98 = tpu.memref_slice %arg2[%mul3A_36] : memref<640000xi32, #tpu.memory_space<hbm>> -> memref<40000xi32, #tpu.memory_space<hbm>>
      %dma_start3A_99 = tpu.memref_slice %arg2[%mul3A_36] : memref<640000xi32, #tpu.memory_space<hbm>> -> memref<40000xi32, #tpu.memory_space<hbm>>
      tpu.enqueue_dma source(%dma_start3A_99 : memref<40000xi32, #tpu.memory_space<hbm>>) target(%arg5 : memref<40000xi32, #tpu.memory_space<vmem>>) target_semaphore(%run_scoped3A : memref<!tpu.dma_semaphore, #tpu.memory_space<semaphore_mem>>)
      %dma_wait3A_100 = tpu.memref_slice %arg2[%mul3A_36] : memref<640000xi32, #tpu.memory_space<hbm>> -> memref<40000xi32, #tpu.memory_space<hbm>>
      %dma_wait3A_101 = tpu.memref_slice %arg2[%mul3A_36] : memref<640000xi32, #tpu.memory_space<hbm>> -> memref<40000xi32, #tpu.memory_space<hbm>>
      tpu.wait_dma2 semaphore(%run_scoped3A : memref<!tpu.dma_semaphore, #tpu.memory_space<semaphore_mem>>) src(%dma_wait3A_101 : memref<40000xi32, #tpu.memory_space<hbm>>) dst(%arg5 : memref<40000xi32, #tpu.memory_space<vmem>>)
      tpu.yield
    }) : () -> ()
    %iota3A = tpu.iota {dimensions = array<i32: 0>} : vector<16xi32>
    %mul3A_37 = arith.constant 32 : i32
    %mul3A_38 = vector.broadcast %mul3A_37 : i32 to vector<16xi32>
    %mul3A_39 = arith.muli %iota3A, %mul3A_38 : vector<16xi32>
    %add3A_40 = arith.constant 0 : i32
    %add3A_41 = arith.addi %mul3A_34, %add3A_40 : i32
    %min3A = arith.constant 9488 : i32
    %min3A_42 = arith.minsi %add3A_41, %min3A : i32
    %mul3A_43 = arith.constant 32 : i32
    %mul3A_44 = arith.muli %min3A_42, %mul3A_43 : i32
    %dma_start3A = arith.constant 0 : i32
    %dma_start3A_45 = arith.constant 0 : i32
    %dma_start3A_46 = tpu.memref_slice %arg6[%dma_start3A, %dma_start3A_45] : memref<2x16384xi32, #tpu.memory_space<vmem>> -> memref<1x16384xi32, #tpu.memory_space<vmem>>
    %dma_start3A_47 = tpu.memref_squeeze %dma_start3A_46 : memref<1x16384xi32, #tpu.memory_space<vmem>> -> memref<16384xi32, #tpu.memory_space<vmem>>
    %dma_start3A_48 = tpu.memref_slice %arg3[%mul3A_44] : memref<320000xi32, #tpu.memory_space<hbm>> -> memref<16384xi32, #tpu.memory_space<hbm>>
    %dma_start3A_49 = arith.constant 0 : i32
    %dma_start3A_50 = tpu.memref_slice %arg6[%dma_start3A, %dma_start3A_49] : memref<2x16384xi32, #tpu.memory_space<vmem>> -> memref<1x16384xi32, #tpu.memory_space<vmem>>
    %dma_start3A_51 = tpu.memref_squeeze %dma_start3A_50 : memref<1x16384xi32, #tpu.memory_space<vmem>> -> memref<16384xi32, #tpu.memory_space<vmem>>
    %dma_start3A_52 = tpu.memref_slice %arg3[%mul3A_44] : memref<320000xi32, #tpu.memory_space<hbm>> -> memref<16384xi32, #tpu.memory_space<hbm>>
    tpu.enqueue_dma source(%dma_start3A_52 : memref<16384xi32, #tpu.memory_space<hbm>>) target(%dma_start3A_51 : memref<16384xi32, #tpu.memory_space<vmem>>) target_semaphore(%arg8 : memref<!tpu.dma_semaphore, #tpu.memory_space<semaphore_mem>>)
    %add3A_53 = arith.constant 512 : i32
    %add3A_54 = arith.addi %mul3A_34, %add3A_53 : i32
    %min3A_55 = arith.constant 9488 : i32
    %min3A_56 = arith.minsi %add3A_54, %min3A_55 : i32
    %mul3A_57 = arith.constant 32 : i32
    %mul3A_58 = arith.muli %min3A_56, %mul3A_57 : i32
    %dma_start3A_59 = arith.constant 1 : i32
    %dma_start3A_60 = arith.constant 0 : i32
    %dma_start3A_61 = tpu.memref_slice %arg6[%dma_start3A_59, %dma_start3A_60] : memref<2x16384xi32, #tpu.memory_space<vmem>> -> memref<1x16384xi32, #tpu.memory_space<vmem>>
    %dma_start3A_62 = tpu.memref_squeeze %dma_start3A_61 : memref<1x16384xi32, #tpu.memory_space<vmem>> -> memref<16384xi32, #tpu.memory_space<vmem>>
    %dma_start3A_63 = tpu.memref_slice %arg3[%mul3A_58] : memref<320000xi32, #tpu.memory_space<hbm>> -> memref<16384xi32, #tpu.memory_space<hbm>>
    %dma_start3A_64 = arith.constant 0 : i32
    %dma_start3A_65 = tpu.memref_slice %arg6[%dma_start3A_59, %dma_start3A_64] : memref<2x16384xi32, #tpu.memory_space<vmem>> -> memref<1x16384xi32, #tpu.memory_space<vmem>>
    %dma_start3A_66 = tpu.memref_squeeze %dma_start3A_65 : memref<1x16384xi32, #tpu.memory_space<vmem>> -> memref<16384xi32, #tpu.memory_space<vmem>>
    %dma_start3A_67 = tpu.memref_slice %arg3[%mul3A_58] : memref<320000xi32, #tpu.memory_space<hbm>> -> memref<16384xi32, #tpu.memory_space<hbm>>
    tpu.enqueue_dma source(%dma_start3A_67 : memref<16384xi32, #tpu.memory_space<hbm>>) target(%dma_start3A_66 : memref<16384xi32, #tpu.memory_space<vmem>>) target_semaphore(%arg9 : memref<!tpu.dma_semaphore, #tpu.memory_space<semaphore_mem>>)
    %scan3A = arith.constant 0 : i32
    %scan3A_68 = arith.constant 0 : i32
    %scan3A_69 = arith.constant 5 : i32
    %scan3A_70 = arith.addi %scan3A_68, %scan3A_69 : i32
    %scan3A_71 = arith.constant 1 : i32
    scf.for %scan3A_98 = %scan3A_68 to %scan3A_70 step %scan3A_71  : i32 {
      %mul3A_99 = arith.constant 2 : i32
      %mul3A_100 = arith.muli %scan3A_98, %mul3A_99 : i32
      %add3A_101 = arith.constant 0 : i32
      %add3A_102 = arith.addi %mul3A_100, %add3A_101 : i32
      %mul3A_103 = arith.constant 512 : i32
      %mul3A_104 = arith.muli %add3A_102, %mul3A_103 : i32
      %add3A_105 = arith.addi %mul3A_34, %mul3A_104 : i32
      %min3A_106 = arith.constant 9488 : i32
      %min3A_107 = arith.minsi %add3A_105, %min3A_106 : i32
      %mul3A_108 = arith.constant 32 : i32
      %mul3A_109 = arith.muli %min3A_107, %mul3A_108 : i32
      %dma_wait3A_110 = arith.constant 0 : i32
      %dma_wait3A_111 = arith.constant 0 : i32
      %dma_wait3A_112 = tpu.memref_slice %arg6[%dma_wait3A_110, %dma_wait3A_111] : memref<2x16384xi32, #tpu.memory_space<vmem>> -> memref<1x16384xi32, #tpu.memory_space<vmem>>
      %dma_wait3A_113 = tpu.memref_squeeze %dma_wait3A_112 : memref<1x16384xi32, #tpu.memory_space<vmem>> -> memref<16384xi32, #tpu.memory_space<vmem>>
      %dma_wait3A_114 = tpu.memref_slice %arg3[%mul3A_109] : memref<320000xi32, #tpu.memory_space<hbm>> -> memref<16384xi32, #tpu.memory_space<hbm>>
      %dma_wait3A_115 = arith.constant 0 : i32
      %dma_wait3A_116 = tpu.memref_slice %arg6[%dma_wait3A_110, %dma_wait3A_115] : memref<2x16384xi32, #tpu.memory_space<vmem>> -> memref<1x16384xi32, #tpu.memory_space<vmem>>
      %dma_wait3A_117 = tpu.memref_squeeze %dma_wait3A_116 : memref<1x16384xi32, #tpu.memory_space<vmem>> -> memref<16384xi32, #tpu.memory_space<vmem>>
      %dma_wait3A_118 = tpu.memref_slice %arg3[%mul3A_109] : memref<320000xi32, #tpu.memory_space<hbm>> -> memref<16384xi32, #tpu.memory_space<hbm>>
      tpu.wait_dma2 semaphore(%arg8 : memref<!tpu.dma_semaphore, #tpu.memory_space<semaphore_mem>>) src(%dma_wait3A_118 : memref<16384xi32, #tpu.memory_space<hbm>>) dst(%dma_wait3A_117 : memref<16384xi32, #tpu.memory_space<vmem>>)
      %ge3A = arith.constant 2 : i32
      %ge3A_119 = arith.cmpi sge, %add3A_102, %ge3A : i32
      %convert_element_type3A = arith.extui %ge3A_119 : i1 to i32
      %cond3A = arith.constant 0 : i32
      %cond3A_120 = arith.cmpi ne, %convert_element_type3A, %cond3A : i32
      scf.if %cond3A_120 {
        %sub3A_204 = arith.constant 2 : i32
        %sub3A_205 = arith.subi %add3A_102, %sub3A_204 : i32
        %mul3A_206 = arith.constant 512 : i32
        %mul3A_207 = arith.muli %sub3A_205, %mul3A_206 : i32
        %add3A_208 = arith.addi %mul3A_34, %mul3A_207 : i32
        %dma_wait3A_209 = arith.constant 0 : i32
        %dma_wait3A_210 = arith.constant 0 : i32
        %dma_wait3A_211 = arith.constant 0 : i32
        %dma_wait3A_212 = tpu.memref_slice %arg7[%dma_wait3A_209, %dma_wait3A_210, %dma_wait3A_211] : memref<2x4x512xi32, #tpu.memory_space<vmem>> -> memref<1x4x512xi32, #tpu.memory_space<vmem>>
        %dma_wait3A_213 = tpu.memref_squeeze %dma_wait3A_212 : memref<1x4x512xi32, #tpu.memory_space<vmem>> -> memref<4x512xi32, #tpu.memory_space<vmem>>
        %dma_wait3A_214 = tpu.memref_slice %arg4[%mul3A_11, %add3A_208] : memref<64x10240xi32, #tpu.memory_space<hbm>> -> memref<4x512xi32, #tpu.memory_space<hbm>>
        %dma_wait3A_215 = tpu.memref_slice %arg4[%mul3A_11, %add3A_208] : memref<64x10240xi32, #tpu.memory_space<hbm>> -> memref<4x512xi32, #tpu.memory_space<hbm>>
        %dma_wait3A_216 = arith.constant 0 : i32
        %dma_wait3A_217 = arith.constant 0 : i32
        %dma_wait3A_218 = tpu.memref_slice %arg7[%dma_wait3A_209, %dma_wait3A_216, %dma_wait3A_217] : memref<2x4x512xi32, #tpu.memory_space<vmem>> -> memref<1x4x512xi32, #tpu.memory_space<vmem>>
        %dma_wait3A_219 = tpu.memref_squeeze %dma_wait3A_218 : memref<1x4x512xi32, #tpu.memory_space<vmem>> -> memref<4x512xi32, #tpu.memory_space<vmem>>
        tpu.wait_dma2 semaphore(%arg10 : memref<!tpu.dma_semaphore, #tpu.memory_space<semaphore_mem>>) src(%dma_wait3A_219 : memref<4x512xi32, #tpu.memory_space<vmem>>) dst(%dma_wait3A_215 : memref<4x512xi32, #tpu.memory_space<hbm>>)
      } else {
      }
      %mul3A_121 = arith.constant 512 : i32
      %mul3A_122 = arith.muli %add3A_102, %mul3A_121 : i32
      %add3A_123 = arith.addi %mul3A_34, %mul3A_122 : i32
      %min3A_124 = arith.constant 9488 : i32
      %min3A_125 = arith.minsi %add3A_123, %min3A_124 : i32
      %sub3A_126 = arith.subi %add3A_123, %min3A_125 : i32
      %mul3A_127 = arith.constant 32 : i32
      %mul3A_128 = arith.muli %sub3A_126, %mul3A_127 : i32
      %mul3A_129 = arith.constant 512 : i32
      %mul3A_130 = arith.muli %add3A_102, %mul3A_129 : i32
      %add3A_131 = arith.addi %mul3A_34, %mul3A_130 : i32
      %dma_start3A_132 = arith.constant 0 : i32
      %dma_start3A_133 = arith.constant 0 : i32
      %dma_start3A_134 = arith.constant 0 : i32
      %dma_start3A_135 = tpu.memref_slice %arg7[%dma_start3A_132, %dma_start3A_133, %dma_start3A_134] : memref<2x4x512xi32, #tpu.memory_space<vmem>> -> memref<1x4x512xi32, #tpu.memory_space<vmem>>
      %dma_start3A_136 = tpu.memref_squeeze %dma_start3A_135 : memref<1x4x512xi32, #tpu.memory_space<vmem>> -> memref<4x512xi32, #tpu.memory_space<vmem>>
      %dma_start3A_137 = tpu.memref_slice %arg4[%mul3A_11, %add3A_131] : memref<64x10240xi32, #tpu.memory_space<hbm>> -> memref<4x512xi32, #tpu.memory_space<hbm>>
      %dma_start3A_138 = tpu.memref_slice %arg4[%mul3A_11, %add3A_131] : memref<64x10240xi32, #tpu.memory_space<hbm>> -> memref<4x512xi32, #tpu.memory_space<hbm>>
      %dma_start3A_139 = arith.constant 0 : i32
      %dma_start3A_140 = arith.constant 0 : i32
      %dma_start3A_141 = tpu.memref_slice %arg7[%dma_start3A_132, %dma_start3A_139, %dma_start3A_140] : memref<2x4x512xi32, #tpu.memory_space<vmem>> -> memref<1x4x512xi32, #tpu.memory_space<vmem>>
      %dma_start3A_142 = tpu.memref_squeeze %dma_start3A_141 : memref<1x4x512xi32, #tpu.memory_space<vmem>> -> memref<4x512xi32, #tpu.memory_space<vmem>>
      tpu.enqueue_dma source(%dma_start3A_142 : memref<4x512xi32, #tpu.memory_space<vmem>>) target(%dma_start3A_138 : memref<4x512xi32, #tpu.memory_space<hbm>>) target_semaphore(%arg10 : memref<!tpu.dma_semaphore, #tpu.memory_space<semaphore_mem>>)
      %add3A_143 = arith.constant 2 : i32
      %add3A_144 = arith.addi %add3A_102, %add3A_143 : i32
      %lt3A_145 = arith.constant 10 : i32
      %lt3A_146 = arith.cmpi slt, %add3A_144, %lt3A_145 : i32
      %convert_element_type3A_147 = arith.extui %lt3A_146 : i1 to i32
      %cond3A_148 = arith.constant 0 : i32
      %cond3A_149 = arith.cmpi ne, %convert_element_type3A_147, %cond3A_148 : i32
      scf.if %cond3A_149 {
        %add3A_204 = arith.constant 2 : i32
        %add3A_205 = arith.addi %add3A_102, %add3A_204 : i32
        %mul3A_206 = arith.constant 512 : i32
        %mul3A_207 = arith.muli %add3A_205, %mul3A_206 : i32
        %add3A_208 = arith.addi %mul3A_34, %mul3A_207 : i32
        %min3A_209 = arith.constant 9488 : i32
        %min3A_210 = arith.minsi %add3A_208, %min3A_209 : i32
        %mul3A_211 = arith.constant 32 : i32
        %mul3A_212 = arith.muli %min3A_210, %mul3A_211 : i32
        %dma_start3A_213 = arith.constant 0 : i32
        %dma_start3A_214 = arith.constant 0 : i32
        %dma_start3A_215 = tpu.memref_slice %arg6[%dma_start3A_213, %dma_start3A_214] : memref<2x16384xi32, #tpu.memory_space<vmem>> -> memref<1x16384xi32, #tpu.memory_space<vmem>>
        %dma_start3A_216 = tpu.memref_squeeze %dma_start3A_215 : memref<1x16384xi32, #tpu.memory_space<vmem>> -> memref<16384xi32, #tpu.memory_space<vmem>>
        %dma_start3A_217 = tpu.memref_slice %arg3[%mul3A_212] : memref<320000xi32, #tpu.memory_space<hbm>> -> memref<16384xi32, #tpu.memory_space<hbm>>
        %dma_start3A_218 = arith.constant 0 : i32
        %dma_start3A_219 = tpu.memref_slice %arg6[%dma_start3A_213, %dma_start3A_218] : memref<2x16384xi32, #tpu.memory_space<vmem>> -> memref<1x16384xi32, #tpu.memory_space<vmem>>
        %dma_start3A_220 = tpu.memref_squeeze %dma_start3A_219 : memref<1x16384xi32, #tpu.memory_space<vmem>> -> memref<16384xi32, #tpu.memory_space<vmem>>
        %dma_start3A_221 = tpu.memref_slice %arg3[%mul3A_212] : memref<320000xi32, #tpu.memory_space<hbm>> -> memref<16384xi32, #tpu.memory_space<hbm>>
        tpu.enqueue_dma source(%dma_start3A_221 : memref<16384xi32, #tpu.memory_space<hbm>>) target(%dma_start3A_220 : memref<16384xi32, #tpu.memory_space<vmem>>) target_semaphore(%arg8 : memref<!tpu.dma_semaphore, #tpu.memory_space<semaphore_mem>>)
      } else {
      }
      %mul3A_150 = arith.constant 2 : i32
      %mul3A_151 = arith.muli %scan3A_98, %mul3A_150 : i32
      %add3A_152 = arith.constant 1 : i32
      %add3A_153 = arith.addi %mul3A_151, %add3A_152 : i32
      %mul3A_154 = arith.constant 512 : i32
      %mul3A_155 = arith.muli %add3A_153, %mul3A_154 : i32
      %add3A_156 = arith.addi %mul3A_34, %mul3A_155 : i32
      %min3A_157 = arith.constant 9488 : i32
      %min3A_158 = arith.minsi %add3A_156, %min3A_157 : i32
      %mul3A_159 = arith.constant 32 : i32
      %mul3A_160 = arith.muli %min3A_158, %mul3A_159 : i32
      %dma_wait3A_161 = arith.constant 1 : i32
      %dma_wait3A_162 = arith.constant 0 : i32
      %dma_wait3A_163 = tpu.memref_slice %arg6[%dma_wait3A_161, %dma_wait3A_162] : memref<2x16384xi32, #tpu.memory_space<vmem>> -> memref<1x16384xi32, #tpu.memory_space<vmem>>
      %dma_wait3A_164 = tpu.memref_squeeze %dma_wait3A_163 : memref<1x16384xi32, #tpu.memory_space<vmem>> -> memref<16384xi32, #tpu.memory_space<vmem>>
      %dma_wait3A_165 = tpu.memref_slice %arg3[%mul3A_160] : memref<320000xi32, #tpu.memory_space<hbm>> -> memref<16384xi32, #tpu.memory_space<hbm>>
      %dma_wait3A_166 = arith.constant 0 : i32
      %dma_wait3A_167 = tpu.memref_slice %arg6[%dma_wait3A_161, %dma_wait3A_166] : memref<2x16384xi32, #tpu.memory_space<vmem>> -> memref<1x16384xi32, #tpu.memory_space<vmem>>
      %dma_wait3A_168 = tpu.memref_squeeze %dma_wait3A_167 : memref<1x16384xi32, #tpu.memory_space<vmem>> -> memref<16384xi32, #tpu.memory_space<vmem>>
      %dma_wait3A_169 = tpu.memref_slice %arg3[%mul3A_160] : memref<320000xi32, #tpu.memory_space<hbm>> -> memref<16384xi32, #tpu.memory_space<hbm>>
      tpu.wait_dma2 semaphore(%arg9 : memref<!tpu.dma_semaphore, #tpu.memory_space<semaphore_mem>>) src(%dma_wait3A_169 : memref<16384xi32, #tpu.memory_space<hbm>>) dst(%dma_wait3A_168 : memref<16384xi32, #tpu.memory_space<vmem>>)
      %ge3A_170 = arith.constant 2 : i32
      %ge3A_171 = arith.cmpi sge, %add3A_153, %ge3A_170 : i32
      %convert_element_type3A_172 = arith.extui %ge3A_171 : i1 to i32
      %cond3A_173 = arith.constant 0 : i32
      %cond3A_174 = arith.cmpi ne, %convert_element_type3A_172, %cond3A_173 : i32
      scf.if %cond3A_174 {
        %sub3A_204 = arith.constant 2 : i32
        %sub3A_205 = arith.subi %add3A_153, %sub3A_204 : i32
        %mul3A_206 = arith.constant 512 : i32
        %mul3A_207 = arith.muli %sub3A_205, %mul3A_206 : i32
        %add3A_208 = arith.addi %mul3A_34, %mul3A_207 : i32
        %dma_wait3A_209 = arith.constant 1 : i32
        %dma_wait3A_210 = arith.constant 0 : i32
        %dma_wait3A_211 = arith.constant 0 : i32
        %dma_wait3A_212 = tpu.memref_slice %arg7[%dma_wait3A_209, %dma_wait3A_210, %dma_wait3A_211] : memref<2x4x512xi32, #tpu.memory_space<vmem>> -> memref<1x4x512xi32, #tpu.memory_space<vmem>>
        %dma_wait3A_213 = tpu.memref_squeeze %dma_wait3A_212 : memref<1x4x512xi32, #tpu.memory_space<vmem>> -> memref<4x512xi32, #tpu.memory_space<vmem>>
        %dma_wait3A_214 = tpu.memref_slice %arg4[%mul3A_11, %add3A_208] : memref<64x10240xi32, #tpu.memory_space<hbm>> -> memref<4x512xi32, #tpu.memory_space<hbm>>
        %dma_wait3A_215 = tpu.memref_slice %arg4[%mul3A_11, %add3A_208] : memref<64x10240xi32, #tpu.memory_space<hbm>> -> memref<4x512xi32, #tpu.memory_space<hbm>>
        %dma_wait3A_216 = arith.constant 0 : i32
        %dma_wait3A_217 = arith.constant 0 : i32
        %dma_wait3A_218 = tpu.memref_slice %arg7[%dma_wait3A_209, %dma_wait3A_216, %dma_wait3A_217] : memref<2x4x512xi32, #tpu.memory_space<vmem>> -> memref<1x4x512xi32, #tpu.memory_space<vmem>>
        %dma_wait3A_219 = tpu.memref_squeeze %dma_wait3A_218 : memref<1x4x512xi32, #tpu.memory_space<vmem>> -> memref<4x512xi32, #tpu.memory_space<vmem>>
        tpu.wait_dma2 semaphore(%arg11 : memref<!tpu.dma_semaphore, #tpu.memory_space<semaphore_mem>>) src(%dma_wait3A_219 : memref<4x512xi32, #tpu.memory_space<vmem>>) dst(%dma_wait3A_215 : memref<4x512xi32, #tpu.memory_space<hbm>>)
      } else {
      }
      %mul3A_175 = arith.constant 512 : i32
      %mul3A_176 = arith.muli %add3A_153, %mul3A_175 : i32
      %add3A_177 = arith.addi %mul3A_34, %mul3A_176 : i32
      %min3A_178 = arith.constant 9488 : i32
      %min3A_179 = arith.minsi %add3A_177, %min3A_178 : i32
      %sub3A_180 = arith.subi %add3A_177, %min3A_179 : i32
      %mul3A_181 = arith.constant 32 : i32
      %mul3A_182 = arith.muli %sub3A_180, %mul3A_181 : i32
      %mul3A_183 = arith.constant 512 : i32
      %mul3A_184 = arith.muli %add3A_153, %mul3A_183 : i32
      %add3A_185 = arith.addi %mul3A_34, %mul3A_184 : i32
      %dma_start3A_186 = arith.constant 1 : i32
      %dma_start3A_187 = arith.constant 0 : i32
      %dma_start3A_188 = arith.constant 0 : i32
      %dma_start3A_189 = tpu.memref_slice %arg7[%dma_start3A_186, %dma_start3A_187, %dma_start3A_188] : memref<2x4x512xi32, #tpu.memory_space<vmem>> -> memref<1x4x512xi32, #tpu.memory_space<vmem>>
      %dma_start3A_190 = tpu.memref_squeeze %dma_start3A_189 : memref<1x4x512xi32, #tpu.memory_space<vmem>> -> memref<4x512xi32, #tpu.memory_space<vmem>>
      %dma_start3A_191 = tpu.memref_slice %arg4[%mul3A_11, %add3A_185] : memref<64x10240xi32, #tpu.memory_space<hbm>> -> memref<4x512xi32, #tpu.memory_space<hbm>>
      %dma_start3A_192 = tpu.memref_slice %arg4[%mul3A_11, %add3A_185] : memref<64x10240xi32, #tpu.memory_space<hbm>> -> memref<4x512xi32, #tpu.memory_space<hbm>>
      %dma_start3A_193 = arith.constant 0 : i32
      %dma_start3A_194 = arith.constant 0 : i32
      %dma_start3A_195 = tpu.memref_slice %arg7[%dma_start3A_186, %dma_start3A_193, %dma_start3A_194] : memref<2x4x512xi32, #tpu.memory_space<vmem>> -> memref<1x4x512xi32, #tpu.memory_space<vmem>>
      %dma_start3A_196 = tpu.memref_squeeze %dma_start3A_195 : memref<1x4x512xi32, #tpu.memory_space<vmem>> -> memref<4x512xi32, #tpu.memory_space<vmem>>
      tpu.enqueue_dma source(%dma_start3A_196 : memref<4x512xi32, #tpu.memory_space<vmem>>) target(%dma_start3A_192 : memref<4x512xi32, #tpu.memory_space<hbm>>) target_semaphore(%arg11 : memref<!tpu.dma_semaphore, #tpu.memory_space<semaphore_mem>>)
      %add3A_197 = arith.constant 2 : i32
      %add3A_198 = arith.addi %add3A_153, %add3A_197 : i32
      %lt3A_199 = arith.constant 10 : i32
      %lt3A_200 = arith.cmpi slt, %add3A_198, %lt3A_199 : i32
      %convert_element_type3A_201 = arith.extui %lt3A_200 : i1 to i32
      %cond3A_202 = arith.constant 0 : i32
      %cond3A_203 = arith.cmpi ne, %convert_element_type3A_201, %cond3A_202 : i32
      scf.if %cond3A_203 {
        %add3A_204 = arith.constant 2 : i32
        %add3A_205 = arith.addi %add3A_153, %add3A_204 : i32
        %mul3A_206 = arith.constant 512 : i32
        %mul3A_207 = arith.muli %add3A_205, %mul3A_206 : i32
        %add3A_208 = arith.addi %mul3A_34, %mul3A_207 : i32
        %min3A_209 = arith.constant 9488 : i32
        %min3A_210 = arith.minsi %add3A_208, %min3A_209 : i32
        %mul3A_211 = arith.constant 32 : i32
        %mul3A_212 = arith.muli %min3A_210, %mul3A_211 : i32
        %dma_start3A_213 = arith.constant 1 : i32
        %dma_start3A_214 = arith.constant 0 : i32
        %dma_start3A_215 = tpu.memref_slice %arg6[%dma_start3A_213, %dma_start3A_214] : memref<2x16384xi32, #tpu.memory_space<vmem>> -> memref<1x16384xi32, #tpu.memory_space<vmem>>
        %dma_start3A_216 = tpu.memref_squeeze %dma_start3A_215 : memref<1x16384xi32, #tpu.memory_space<vmem>> -> memref<16384xi32, #tpu.memory_space<vmem>>
        %dma_start3A_217 = tpu.memref_slice %arg3[%mul3A_212] : memref<320000xi32, #tpu.memory_space<hbm>> -> memref<16384xi32, #tpu.memory_space<hbm>>
        %dma_start3A_218 = arith.constant 0 : i32
        %dma_start3A_219 = tpu.memref_slice %arg6[%dma_start3A_213, %dma_start3A_218] : memref<2x16384xi32, #tpu.memory_space<vmem>> -> memref<1x16384xi32, #tpu.memory_space<vmem>>
        %dma_start3A_220 = tpu.memref_squeeze %dma_start3A_219 : memref<1x16384xi32, #tpu.memory_space<vmem>> -> memref<16384xi32, #tpu.memory_space<vmem>>
        %dma_start3A_221 = tpu.memref_slice %arg3[%mul3A_212] : memref<320000xi32, #tpu.memory_space<hbm>> -> memref<16384xi32, #tpu.memory_space<hbm>>
        tpu.enqueue_dma source(%dma_start3A_221 : memref<16384xi32, #tpu.memory_space<hbm>>) target(%dma_start3A_220 : memref<16384xi32, #tpu.memory_space<vmem>>) target_semaphore(%arg9 : memref<!tpu.dma_semaphore, #tpu.memory_space<semaphore_mem>>)
      } else {
      }
    }
    %scan3A_72 = arith.constant 5 : i32
    %add3A_73 = arith.constant 4096 : i32
    %add3A_74 = arith.addi %mul3A_34, %add3A_73 : i32
    %dma_wait3A = arith.constant 0 : i32
    %dma_wait3A_75 = arith.constant 0 : i32
    %dma_wait3A_76 = arith.constant 0 : i32
    %dma_wait3A_77 = tpu.memref_slice %arg7[%dma_wait3A, %dma_wait3A_75, %dma_wait3A_76] : memref<2x4x512xi32, #tpu.memory_space<vmem>> -> memref<1x4x512xi32, #tpu.memory_space<vmem>>
    %dma_wait3A_78 = tpu.memref_squeeze %dma_wait3A_77 : memref<1x4x512xi32, #tpu.memory_space<vmem>> -> memref<4x512xi32, #tpu.memory_space<vmem>>
    %dma_wait3A_79 = tpu.memref_slice %arg4[%mul3A_11, %add3A_74] : memref<64x10240xi32, #tpu.memory_space<hbm>> -> memref<4x512xi32, #tpu.memory_space<hbm>>
    %dma_wait3A_80 = tpu.memref_slice %arg4[%mul3A_11, %add3A_74] : memref<64x10240xi32, #tpu.memory_space<hbm>> -> memref<4x512xi32, #tpu.memory_space<hbm>>
    %dma_wait3A_81 = arith.constant 0 : i32
    %dma_wait3A_82 = arith.constant 0 : i32
    %dma_wait3A_83 = tpu.memref_slice %arg7[%dma_wait3A, %dma_wait3A_81, %dma_wait3A_82] : memref<2x4x512xi32, #tpu.memory_space<vmem>> -> memref<1x4x512xi32, #tpu.memory_space<vmem>>
    %dma_wait3A_84 = tpu.memref_squeeze %dma_wait3A_83 : memref<1x4x512xi32, #tpu.memory_space<vmem>> -> memref<4x512xi32, #tpu.memory_space<vmem>>
    tpu.wait_dma2 semaphore(%arg10 : memref<!tpu.dma_semaphore, #tpu.memory_space<semaphore_mem>>) src(%dma_wait3A_84 : memref<4x512xi32, #tpu.memory_space<vmem>>) dst(%dma_wait3A_80 : memref<4x512xi32, #tpu.memory_space<hbm>>)
    %add3A_85 = arith.constant 4608 : i32
    %add3A_86 = arith.addi %mul3A_34, %add3A_85 : i32
    %dma_wait3A_87 = arith.constant 1 : i32
    %dma_wait3A_88 = arith.constant 0 : i32
    %dma_wait3A_89 = arith.constant 0 : i32
    %dma_wait3A_90 = tpu.memref_slice %arg7[%dma_wait3A_87, %dma_wait3A_88, %dma_wait3A_89] : memref<2x4x512xi32, #tpu.memory_space<vmem>> -> memref<1x4x512xi32, #tpu.memory_space<vmem>>
    %dma_wait3A_91 = tpu.memref_squeeze %dma_wait3A_90 : memref<1x4x512xi32, #tpu.memory_space<vmem>> -> memref<4x512xi32, #tpu.memory_space<vmem>>
    %dma_wait3A_92 = tpu.memref_slice %arg4[%mul3A_11, %add3A_86] : memref<64x10240xi32, #tpu.memory_space<hbm>> -> memref<4x512xi32, #tpu.memory_space<hbm>>
    %dma_wait3A_93 = tpu.memref_slice %arg4[%mul3A_11, %add3A_86] : memref<64x10240xi32, #tpu.memory_space<hbm>> -> memref<4x512xi32, #tpu.memory_space<hbm>>
    %dma_wait3A_94 = arith.constant 0 : i32
    %dma_wait3A_95 = arith.constant 0 : i32
    %dma_wait3A_96 = tpu.memref_slice %arg7[%dma_wait3A_87, %dma_wait3A_94, %dma_wait3A_95] : memref<2x4x512xi32, #tpu.memory_space<vmem>> -> memref<1x4x512xi32, #tpu.memory_space<vmem>>
    %dma_wait3A_97 = tpu.memref_squeeze %dma_wait3A_96 : memref<1x4x512xi32, #tpu.memory_space<vmem>> -> memref<4x512xi32, #tpu.memory_space<vmem>>
    tpu.wait_dma2 semaphore(%arg11 : memref<!tpu.dma_semaphore, #tpu.memory_space<semaphore_mem>>) src(%dma_wait3A_97 : memref<4x512xi32, #tpu.memory_space<vmem>>) dst(%dma_wait3A_93 : memref<4x512xi32, #tpu.memory_space<hbm>>)
    return
  }
}

module attributes {stable_mosaic.version = 14 : i64} {
  func.func @body(%arg0: memref<128x128xf32, #tpu.memory_space<vmem>>, %arg1: memref<128x10000xf32, #tpu.memory_space<vmem>>, %arg2: memref<640000xi32, #tpu.memory_space<vmem>>) attributes {dimension_semantics = [], scalar_prefetch = 0 : i64, scratch_operands = 0 : i64, tpu.core_type = #tpu.core_type<tc>} {
    %get3A = arith.constant 0 : index
    %get3A_0 = arith.constant 0 : index
    %get3A_1 = vector.load %arg0[%get3A, %get3A_0] : memref<128x128xf32, #tpu.memory_space<vmem>>, vector<128x128xf32>
    %get3A_2 = arith.constant 0 : index
    %get3A_3 = arith.constant 0 : index
    %get3A_4 = vector.load %arg1[%get3A_2, %get3A_3] : memref<128x10000xf32, #tpu.memory_space<vmem>>, vector<128x10000xf32>
    %dot_general3A = arith.constant dense<0.000000e+00> : vector<128x10000xf32>
    %dot_general3A_5 = tpu.matmul %get3A_1, %get3A_4, %dot_general3A {dimension_numbers = #tpu.dot_dimension_numbers<[1], [0], [0], [1], [0, 0, 1, 1], [], []>, transpose_lhs_hint = false} : vector<128x128xf32>, vector<128x10000xf32>, vector<128x10000xf32> -> vector<128x10000xf32>
    %max3A = arith.constant 0.000000e+00 : f32
    %max3A_6 = vector.broadcast %max3A : f32 to vector<128x10000xf32>
    %max3A_7 = arith.maximumf %dot_general3A_5, %max3A_6 : vector<128x10000xf32>
    %convert_element_type3A = arith.truncf %max3A_7 : vector<128x10000xf32> to vector<128x10000xbf16>
    %slice3A = vector.extract_strided_slice %convert_element_type3A {offsets = [0, 0], sizes = [64, 10000], strides = [1, 1]} : vector<128x10000xbf16> to vector<64x10000xbf16>
    %bitcast_convert_type3A = tpu.bitcast %slice3A : vector<64x10000xbf16> -> vector<64x10000xi16>
    %convert_element_type3A_8 = arith.extui %bitcast_convert_type3A : vector<64x10000xi16> to vector<64x10000xi32>
    %slice3A_9 = vector.extract_strided_slice %convert_element_type3A {offsets = [64, 0], sizes = [64, 10000], strides = [1, 1]} : vector<128x10000xbf16> to vector<64x10000xbf16>
    %bitcast_convert_type3A_10 = tpu.bitcast %slice3A_9 : vector<64x10000xbf16> -> vector<64x10000xi16>
    %convert_element_type3A_11 = arith.extui %bitcast_convert_type3A_10 : vector<64x10000xi16> to vector<64x10000xi32>
    %shift_left3A = arith.constant 16 : i32
    %shift_left3A_12 = vector.broadcast %shift_left3A : i32 to vector<64x10000xi32>
    %shift_left3A_13 = arith.shli %convert_element_type3A_11, %shift_left3A_12 : vector<64x10000xi32>
    %or3A = arith.ori %convert_element_type3A_8, %shift_left3A_13 : vector<64x10000xi32>
    %bitcast_convert_type3A_14 = tpu.bitcast %or3A : vector<64x10000xi32> -> vector<64x10000xi32>
    %slice3A_15 = vector.extract_strided_slice %bitcast_convert_type3A_14 {offsets = [0, 0], sizes = [1, 10000], strides = [1, 1]} : vector<64x10000xi32> to vector<1x10000xi32>
    %squeeze3A = vector.shape_cast %slice3A_15 : vector<1x10000xi32> to vector<10000xi32>
    %swap3A = arith.constant 0 : index
    %swap3A_16 = vector.load %arg2[%swap3A] : memref<640000xi32, #tpu.memory_space<vmem>>, vector<10000xi32>
    tpu.vector_store %arg2[%swap3A], %squeeze3A {strides = array<i32>} : memref<640000xi32, #tpu.memory_space<vmem>>, vector<10000xi32>,
    %slice3A_17 = vector.extract_strided_slice %bitcast_convert_type3A_14 {offsets = [1, 0], sizes = [1, 10000], strides = [1, 1]} : vector<64x10000xi32> to vector<1x10000xi32>
    %squeeze3A_18 = vector.shape_cast %slice3A_17 : vector<1x10000xi32> to vector<10000xi32>
    %swap3A_19 = arith.constant 10000 : index
    %swap3A_20 = vector.load %arg2[%swap3A_19] : memref<640000xi32, #tpu.memory_space<vmem>>, vector<10000xi32>
    tpu.vector_store %arg2[%swap3A_19], %squeeze3A_18 {strides = array<i32>} : memref<640000xi32, #tpu.memory_space<vmem>>, vector<10000xi32>,
    %slice3A_21 = vector.extract_strided_slice %bitcast_convert_type3A_14 {offsets = [2, 0], sizes = [1, 10000], strides = [1, 1]} : vector<64x10000xi32> to vector<1x10000xi32>
    %squeeze3A_22 = vector.shape_cast %slice3A_21 : vector<1x10000xi32> to vector<10000xi32>
    %swap3A_23 = arith.constant 20000 : index
    %swap3A_24 = vector.load %arg2[%swap3A_23] : memref<640000xi32, #tpu.memory_space<vmem>>, vector<10000xi32>
    tpu.vector_store %arg2[%swap3A_23], %squeeze3A_22 {strides = array<i32>} : memref<640000xi32, #tpu.memory_space<vmem>>, vector<10000xi32>,
    %slice3A_25 = vector.extract_strided_slice %bitcast_convert_type3A_14 {offsets = [3, 0], sizes = [1, 10000], strides = [1, 1]} : vector<64x10000xi32> to vector<1x10000xi32>
    %squeeze3A_26 = vector.shape_cast %slice3A_25 : vector<1x10000xi32> to vector<10000xi32>
    %swap3A_27 = arith.constant 30000 : index
    %swap3A_28 = vector.load %arg2[%swap3A_27] : memref<640000xi32, #tpu.memory_space<vmem>>, vector<10000xi32>
    tpu.vector_store %arg2[%swap3A_27], %squeeze3A_26 {strides = array<i32>} : memref<640000xi32, #tpu.memory_space<vmem>>, vector<10000xi32>,
    %slice3A_29 = vector.extract_strided_slice %bitcast_convert_type3A_14 {offsets = [4, 0], sizes = [1, 10000], strides = [1, 1]} : vector<64x10000xi32> to vector<1x10000xi32>
    %squeeze3A_30 = vector.shape_cast %slice3A_29 : vector<1x10000xi32> to vector<10000xi32>
    %swap3A_31 = arith.constant 40000 : index
    %swap3A_32 = vector.load %arg2[%swap3A_31] : memref<640000xi32, #tpu.memory_space<vmem>>, vector<10000xi32>
    tpu.vector_store %arg2[%swap3A_31], %squeeze3A_30 {strides = array<i32>} : memref<640000xi32, #tpu.memory_space<vmem>>, vector<10000xi32>,
    %slice3A_33 = vector.extract_strided_slice %bitcast_convert_type3A_14 {offsets = [5, 0], sizes = [1, 10000], strides = [1, 1]} : vector<64x10000xi32> to vector<1x10000xi32>
    %squeeze3A_34 = vector.shape_cast %slice3A_33 : vector<1x10000xi32> to vector<10000xi32>
    %swap3A_35 = arith.constant 50000 : index
    %swap3A_36 = vector.load %arg2[%swap3A_35] : memref<640000xi32, #tpu.memory_space<vmem>>, vector<10000xi32>
    tpu.vector_store %arg2[%swap3A_35], %squeeze3A_34 {strides = array<i32>} : memref<640000xi32, #tpu.memory_space<vmem>>, vector<10000xi32>,
    %slice3A_37 = vector.extract_strided_slice %bitcast_convert_type3A_14 {offsets = [6, 0], sizes = [1, 10000], strides = [1, 1]} : vector<64x10000xi32> to vector<1x10000xi32>
    %squeeze3A_38 = vector.shape_cast %slice3A_37 : vector<1x10000xi32> to vector<10000xi32>
    %swap3A_39 = arith.constant 60000 : index
    %swap3A_40 = vector.load %arg2[%swap3A_39] : memref<640000xi32, #tpu.memory_space<vmem>>, vector<10000xi32>
    tpu.vector_store %arg2[%swap3A_39], %squeeze3A_38 {strides = array<i32>} : memref<640000xi32, #tpu.memory_space<vmem>>, vector<10000xi32>,
    %slice3A_41 = vector.extract_strided_slice %bitcast_convert_type3A_14 {offsets = [7, 0], sizes = [1, 10000], strides = [1, 1]} : vector<64x10000xi32> to vector<1x10000xi32>
    %squeeze3A_42 = vector.shape_cast %slice3A_41 : vector<1x10000xi32> to vector<10000xi32>
    %swap3A_43 = arith.constant 70000 : index
    %swap3A_44 = vector.load %arg2[%swap3A_43] : memref<640000xi32, #tpu.memory_space<vmem>>, vector<10000xi32>
    tpu.vector_store %arg2[%swap3A_43], %squeeze3A_42 {strides = array<i32>} : memref<640000xi32, #tpu.memory_space<vmem>>, vector<10000xi32>,
    %slice3A_45 = vector.extract_strided_slice %bitcast_convert_type3A_14 {offsets = [8, 0], sizes = [1, 10000], strides = [1, 1]} : vector<64x10000xi32> to vector<1x10000xi32>
    %squeeze3A_46 = vector.shape_cast %slice3A_45 : vector<1x10000xi32> to vector<10000xi32>
    %swap3A_47 = arith.constant 80000 : index
    %swap3A_48 = vector.load %arg2[%swap3A_47] : memref<640000xi32, #tpu.memory_space<vmem>>, vector<10000xi32>
    tpu.vector_store %arg2[%swap3A_47], %squeeze3A_46 {strides = array<i32>} : memref<640000xi32, #tpu.memory_space<vmem>>, vector<10000xi32>,
    %slice3A_49 = vector.extract_strided_slice %bitcast_convert_type3A_14 {offsets = [9, 0], sizes = [1, 10000], strides = [1, 1]} : vector<64x10000xi32> to vector<1x10000xi32>
    %squeeze3A_50 = vector.shape_cast %slice3A_49 : vector<1x10000xi32> to vector<10000xi32>
    %swap3A_51 = arith.constant 90000 : index
    %swap3A_52 = vector.load %arg2[%swap3A_51] : memref<640000xi32, #tpu.memory_space<vmem>>, vector<10000xi32>
    tpu.vector_store %arg2[%swap3A_51], %squeeze3A_50 {strides = array<i32>} : memref<640000xi32, #tpu.memory_space<vmem>>, vector<10000xi32>,
    %slice3A_53 = vector.extract_strided_slice %bitcast_convert_type3A_14 {offsets = [10, 0], sizes = [1, 10000], strides = [1, 1]} : vector<64x10000xi32> to vector<1x10000xi32>
    %squeeze3A_54 = vector.shape_cast %slice3A_53 : vector<1x10000xi32> to vector<10000xi32>
    %swap3A_55 = arith.constant 100000 : index
    %swap3A_56 = vector.load %arg2[%swap3A_55] : memref<640000xi32, #tpu.memory_space<vmem>>, vector<10000xi32>
    tpu.vector_store %arg2[%swap3A_55], %squeeze3A_54 {strides = array<i32>} : memref<640000xi32, #tpu.memory_space<vmem>>, vector<10000xi32>,
    %slice3A_57 = vector.extract_strided_slice %bitcast_convert_type3A_14 {offsets = [11, 0], sizes = [1, 10000], strides = [1, 1]} : vector<64x10000xi32> to vector<1x10000xi32>
    %squeeze3A_58 = vector.shape_cast %slice3A_57 : vector<1x10000xi32> to vector<10000xi32>
    %swap3A_59 = arith.constant 110000 : index
    %swap3A_60 = vector.load %arg2[%swap3A_59] : memref<640000xi32, #tpu.memory_space<vmem>>, vector<10000xi32>
    tpu.vector_store %arg2[%swap3A_59], %squeeze3A_58 {strides = array<i32>} : memref<640000xi32, #tpu.memory_space<vmem>>, vector<10000xi32>,
    %slice3A_61 = vector.extract_strided_slice %bitcast_convert_type3A_14 {offsets = [12, 0], sizes = [1, 10000], strides = [1, 1]} : vector<64x10000xi32> to vector<1x10000xi32>
    %squeeze3A_62 = vector.shape_cast %slice3A_61 : vector<1x10000xi32> to vector<10000xi32>
    %swap3A_63 = arith.constant 120000 : index
    %swap3A_64 = vector.load %arg2[%swap3A_63] : memref<640000xi32, #tpu.memory_space<vmem>>, vector<10000xi32>
    tpu.vector_store %arg2[%swap3A_63], %squeeze3A_62 {strides = array<i32>} : memref<640000xi32, #tpu.memory_space<vmem>>, vector<10000xi32>,
    %slice3A_65 = vector.extract_strided_slice %bitcast_convert_type3A_14 {offsets = [13, 0], sizes = [1, 10000], strides = [1, 1]} : vector<64x10000xi32> to vector<1x10000xi32>
    %squeeze3A_66 = vector.shape_cast %slice3A_65 : vector<1x10000xi32> to vector<10000xi32>
    %swap3A_67 = arith.constant 130000 : index
    %swap3A_68 = vector.load %arg2[%swap3A_67] : memref<640000xi32, #tpu.memory_space<vmem>>, vector<10000xi32>
    tpu.vector_store %arg2[%swap3A_67], %squeeze3A_66 {strides = array<i32>} : memref<640000xi32, #tpu.memory_space<vmem>>, vector<10000xi32>,
    %slice3A_69 = vector.extract_strided_slice %bitcast_convert_type3A_14 {offsets = [14, 0], sizes = [1, 10000], strides = [1, 1]} : vector<64x10000xi32> to vector<1x10000xi32>
    %squeeze3A_70 = vector.shape_cast %slice3A_69 : vector<1x10000xi32> to vector<10000xi32>
    %swap3A_71 = arith.constant 140000 : index
    %swap3A_72 = vector.load %arg2[%swap3A_71] : memref<640000xi32, #tpu.memory_space<vmem>>, vector<10000xi32>
    tpu.vector_store %arg2[%swap3A_71], %squeeze3A_70 {strides = array<i32>} : memref<640000xi32, #tpu.memory_space<vmem>>, vector<10000xi32>,
    %slice3A_73 = vector.extract_strided_slice %bitcast_convert_type3A_14 {offsets = [15, 0], sizes = [1, 10000], strides = [1, 1]} : vector<64x10000xi32> to vector<1x10000xi32>
    %squeeze3A_74 = vector.shape_cast %slice3A_73 : vector<1x10000xi32> to vector<10000xi32>
    %swap3A_75 = arith.constant 150000 : index
    %swap3A_76 = vector.load %arg2[%swap3A_75] : memref<640000xi32, #tpu.memory_space<vmem>>, vector<10000xi32>
    tpu.vector_store %arg2[%swap3A_75], %squeeze3A_74 {strides = array<i32>} : memref<640000xi32, #tpu.memory_space<vmem>>, vector<10000xi32>,
    %slice3A_77 = vector.extract_strided_slice %bitcast_convert_type3A_14 {offsets = [16, 0], sizes = [1, 10000], strides = [1, 1]} : vector<64x10000xi32> to vector<1x10000xi32>
    %squeeze3A_78 = vector.shape_cast %slice3A_77 : vector<1x10000xi32> to vector<10000xi32>
    %swap3A_79 = arith.constant 160000 : index
    %swap3A_80 = vector.load %arg2[%swap3A_79] : memref<640000xi32, #tpu.memory_space<vmem>>, vector<10000xi32>
    tpu.vector_store %arg2[%swap3A_79], %squeeze3A_78 {strides = array<i32>} : memref<640000xi32, #tpu.memory_space<vmem>>, vector<10000xi32>,
    %slice3A_81 = vector.extract_strided_slice %bitcast_convert_type3A_14 {offsets = [17, 0], sizes = [1, 10000], strides = [1, 1]} : vector<64x10000xi32> to vector<1x10000xi32>
    %squeeze3A_82 = vector.shape_cast %slice3A_81 : vector<1x10000xi32> to vector<10000xi32>
    %swap3A_83 = arith.constant 170000 : index
    %swap3A_84 = vector.load %arg2[%swap3A_83] : memref<640000xi32, #tpu.memory_space<vmem>>, vector<10000xi32>
    tpu.vector_store %arg2[%swap3A_83], %squeeze3A_82 {strides = array<i32>} : memref<640000xi32, #tpu.memory_space<vmem>>, vector<10000xi32>,
    %slice3A_85 = vector.extract_strided_slice %bitcast_convert_type3A_14 {offsets = [18, 0], sizes = [1, 10000], strides = [1, 1]} : vector<64x10000xi32> to vector<1x10000xi32>
    %squeeze3A_86 = vector.shape_cast %slice3A_85 : vector<1x10000xi32> to vector<10000xi32>
    %swap3A_87 = arith.constant 180000 : index
    %swap3A_88 = vector.load %arg2[%swap3A_87] : memref<640000xi32, #tpu.memory_space<vmem>>, vector<10000xi32>
    tpu.vector_store %arg2[%swap3A_87], %squeeze3A_86 {strides = array<i32>} : memref<640000xi32, #tpu.memory_space<vmem>>, vector<10000xi32>,
    %slice3A_89 = vector.extract_strided_slice %bitcast_convert_type3A_14 {offsets = [19, 0], sizes = [1, 10000], strides = [1, 1]} : vector<64x10000xi32> to vector<1x10000xi32>
    %squeeze3A_90 = vector.shape_cast %slice3A_89 : vector<1x10000xi32> to vector<10000xi32>
    %swap3A_91 = arith.constant 190000 : index
    %swap3A_92 = vector.load %arg2[%swap3A_91] : memref<640000xi32, #tpu.memory_space<vmem>>, vector<10000xi32>
    tpu.vector_store %arg2[%swap3A_91], %squeeze3A_90 {strides = array<i32>} : memref<640000xi32, #tpu.memory_space<vmem>>, vector<10000xi32>,
    %slice3A_93 = vector.extract_strided_slice %bitcast_convert_type3A_14 {offsets = [20, 0], sizes = [1, 10000], strides = [1, 1]} : vector<64x10000xi32> to vector<1x10000xi32>
    %squeeze3A_94 = vector.shape_cast %slice3A_93 : vector<1x10000xi32> to vector<10000xi32>
    %swap3A_95 = arith.constant 200000 : index
    %swap3A_96 = vector.load %arg2[%swap3A_95] : memref<640000xi32, #tpu.memory_space<vmem>>, vector<10000xi32>
    tpu.vector_store %arg2[%swap3A_95], %squeeze3A_94 {strides = array<i32>} : memref<640000xi32, #tpu.memory_space<vmem>>, vector<10000xi32>,
    %slice3A_97 = vector.extract_strided_slice %bitcast_convert_type3A_14 {offsets = [21, 0], sizes = [1, 10000], strides = [1, 1]} : vector<64x10000xi32> to vector<1x10000xi32>
    %squeeze3A_98 = vector.shape_cast %slice3A_97 : vector<1x10000xi32> to vector<10000xi32>
    %swap3A_99 = arith.constant 210000 : index
    %swap3A_100 = vector.load %arg2[%swap3A_99] : memref<640000xi32, #tpu.memory_space<vmem>>, vector<10000xi32>
    tpu.vector_store %arg2[%swap3A_99], %squeeze3A_98 {strides = array<i32>} : memref<640000xi32, #tpu.memory_space<vmem>>, vector<10000xi32>,
    %slice3A_101 = vector.extract_strided_slice %bitcast_convert_type3A_14 {offsets = [22, 0], sizes = [1, 10000], strides = [1, 1]} : vector<64x10000xi32> to vector<1x10000xi32>
    %squeeze3A_102 = vector.shape_cast %slice3A_101 : vector<1x10000xi32> to vector<10000xi32>
    %swap3A_103 = arith.constant 220000 : index
    %swap3A_104 = vector.load %arg2[%swap3A_103] : memref<640000xi32, #tpu.memory_space<vmem>>, vector<10000xi32>
    tpu.vector_store %arg2[%swap3A_103], %squeeze3A_102 {strides = array<i32>} : memref<640000xi32, #tpu.memory_space<vmem>>, vector<10000xi32>,
    %slice3A_105 = vector.extract_strided_slice %bitcast_convert_type3A_14 {offsets = [23, 0], sizes = [1, 10000], strides = [1, 1]} : vector<64x10000xi32> to vector<1x10000xi32>
    %squeeze3A_106 = vector.shape_cast %slice3A_105 : vector<1x10000xi32> to vector<10000xi32>
    %swap3A_107 = arith.constant 230000 : index
    %swap3A_108 = vector.load %arg2[%swap3A_107] : memref<640000xi32, #tpu.memory_space<vmem>>, vector<10000xi32>
    tpu.vector_store %arg2[%swap3A_107], %squeeze3A_106 {strides = array<i32>} : memref<640000xi32, #tpu.memory_space<vmem>>, vector<10000xi32>,
    %slice3A_109 = vector.extract_strided_slice %bitcast_convert_type3A_14 {offsets = [24, 0], sizes = [1, 10000], strides = [1, 1]} : vector<64x10000xi32> to vector<1x10000xi32>
    %squeeze3A_110 = vector.shape_cast %slice3A_109 : vector<1x10000xi32> to vector<10000xi32>
    %swap3A_111 = arith.constant 240000 : index
    %swap3A_112 = vector.load %arg2[%swap3A_111] : memref<640000xi32, #tpu.memory_space<vmem>>, vector<10000xi32>
    tpu.vector_store %arg2[%swap3A_111], %squeeze3A_110 {strides = array<i32>} : memref<640000xi32, #tpu.memory_space<vmem>>, vector<10000xi32>,
    %slice3A_113 = vector.extract_strided_slice %bitcast_convert_type3A_14 {offsets = [25, 0], sizes = [1, 10000], strides = [1, 1]} : vector<64x10000xi32> to vector<1x10000xi32>
    %squeeze3A_114 = vector.shape_cast %slice3A_113 : vector<1x10000xi32> to vector<10000xi32>
    %swap3A_115 = arith.constant 250000 : index
    %swap3A_116 = vector.load %arg2[%swap3A_115] : memref<640000xi32, #tpu.memory_space<vmem>>, vector<10000xi32>
    tpu.vector_store %arg2[%swap3A_115], %squeeze3A_114 {strides = array<i32>} : memref<640000xi32, #tpu.memory_space<vmem>>, vector<10000xi32>,
    %slice3A_117 = vector.extract_strided_slice %bitcast_convert_type3A_14 {offsets = [26, 0], sizes = [1, 10000], strides = [1, 1]} : vector<64x10000xi32> to vector<1x10000xi32>
    %squeeze3A_118 = vector.shape_cast %slice3A_117 : vector<1x10000xi32> to vector<10000xi32>
    %swap3A_119 = arith.constant 260000 : index
    %swap3A_120 = vector.load %arg2[%swap3A_119] : memref<640000xi32, #tpu.memory_space<vmem>>, vector<10000xi32>
    tpu.vector_store %arg2[%swap3A_119], %squeeze3A_118 {strides = array<i32>} : memref<640000xi32, #tpu.memory_space<vmem>>, vector<10000xi32>,
    %slice3A_121 = vector.extract_strided_slice %bitcast_convert_type3A_14 {offsets = [27, 0], sizes = [1, 10000], strides = [1, 1]} : vector<64x10000xi32> to vector<1x10000xi32>
    %squeeze3A_122 = vector.shape_cast %slice3A_121 : vector<1x10000xi32> to vector<10000xi32>
    %swap3A_123 = arith.constant 270000 : index
    %swap3A_124 = vector.load %arg2[%swap3A_123] : memref<640000xi32, #tpu.memory_space<vmem>>, vector<10000xi32>
    tpu.vector_store %arg2[%swap3A_123], %squeeze3A_122 {strides = array<i32>} : memref<640000xi32, #tpu.memory_space<vmem>>, vector<10000xi32>,
    %slice3A_125 = vector.extract_strided_slice %bitcast_convert_type3A_14 {offsets = [28, 0], sizes = [1, 10000], strides = [1, 1]} : vector<64x10000xi32> to vector<1x10000xi32>
    %squeeze3A_126 = vector.shape_cast %slice3A_125 : vector<1x10000xi32> to vector<10000xi32>
    %swap3A_127 = arith.constant 280000 : index
    %swap3A_128 = vector.load %arg2[%swap3A_127] : memref<640000xi32, #tpu.memory_space<vmem>>, vector<10000xi32>
    tpu.vector_store %arg2[%swap3A_127], %squeeze3A_126 {strides = array<i32>} : memref<640000xi32, #tpu.memory_space<vmem>>, vector<10000xi32>,
    %slice3A_129 = vector.extract_strided_slice %bitcast_convert_type3A_14 {offsets = [29, 0], sizes = [1, 10000], strides = [1, 1]} : vector<64x10000xi32> to vector<1x10000xi32>
    %squeeze3A_130 = vector.shape_cast %slice3A_129 : vector<1x10000xi32> to vector<10000xi32>
    %swap3A_131 = arith.constant 290000 : index
    %swap3A_132 = vector.load %arg2[%swap3A_131] : memref<640000xi32, #tpu.memory_space<vmem>>, vector<10000xi32>
    tpu.vector_store %arg2[%swap3A_131], %squeeze3A_130 {strides = array<i32>} : memref<640000xi32, #tpu.memory_space<vmem>>, vector<10000xi32>,
    %slice3A_133 = vector.extract_strided_slice %bitcast_convert_type3A_14 {offsets = [30, 0], sizes = [1, 10000], strides = [1, 1]} : vector<64x10000xi32> to vector<1x10000xi32>
    %squeeze3A_134 = vector.shape_cast %slice3A_133 : vector<1x10000xi32> to vector<10000xi32>
    %swap3A_135 = arith.constant 300000 : index
    %swap3A_136 = vector.load %arg2[%swap3A_135] : memref<640000xi32, #tpu.memory_space<vmem>>, vector<10000xi32>
    tpu.vector_store %arg2[%swap3A_135], %squeeze3A_134 {strides = array<i32>} : memref<640000xi32, #tpu.memory_space<vmem>>, vector<10000xi32>,
    %slice3A_137 = vector.extract_strided_slice %bitcast_convert_type3A_14 {offsets = [31, 0], sizes = [1, 10000], strides = [1, 1]} : vector<64x10000xi32> to vector<1x10000xi32>
    %squeeze3A_138 = vector.shape_cast %slice3A_137 : vector<1x10000xi32> to vector<10000xi32>
    %swap3A_139 = arith.constant 310000 : index
    %swap3A_140 = vector.load %arg2[%swap3A_139] : memref<640000xi32, #tpu.memory_space<vmem>>, vector<10000xi32>
    tpu.vector_store %arg2[%swap3A_139], %squeeze3A_138 {strides = array<i32>} : memref<640000xi32, #tpu.memory_space<vmem>>, vector<10000xi32>,
    %slice3A_141 = vector.extract_strided_slice %bitcast_convert_type3A_14 {offsets = [32, 0], sizes = [1, 10000], strides = [1, 1]} : vector<64x10000xi32> to vector<1x10000xi32>
    %squeeze3A_142 = vector.shape_cast %slice3A_141 : vector<1x10000xi32> to vector<10000xi32>
    %swap3A_143 = arith.constant 320000 : index
    %swap3A_144 = vector.load %arg2[%swap3A_143] : memref<640000xi32, #tpu.memory_space<vmem>>, vector<10000xi32>
    tpu.vector_store %arg2[%swap3A_143], %squeeze3A_142 {strides = array<i32>} : memref<640000xi32, #tpu.memory_space<vmem>>, vector<10000xi32>,
    %slice3A_145 = vector.extract_strided_slice %bitcast_convert_type3A_14 {offsets = [33, 0], sizes = [1, 10000], strides = [1, 1]} : vector<64x10000xi32> to vector<1x10000xi32>
    %squeeze3A_146 = vector.shape_cast %slice3A_145 : vector<1x10000xi32> to vector<10000xi32>
    %swap3A_147 = arith.constant 330000 : index
    %swap3A_148 = vector.load %arg2[%swap3A_147] : memref<640000xi32, #tpu.memory_space<vmem>>, vector<10000xi32>
    tpu.vector_store %arg2[%swap3A_147], %squeeze3A_146 {strides = array<i32>} : memref<640000xi32, #tpu.memory_space<vmem>>, vector<10000xi32>,
    %slice3A_149 = vector.extract_strided_slice %bitcast_convert_type3A_14 {offsets = [34, 0], sizes = [1, 10000], strides = [1, 1]} : vector<64x10000xi32> to vector<1x10000xi32>
    %squeeze3A_150 = vector.shape_cast %slice3A_149 : vector<1x10000xi32> to vector<10000xi32>
    %swap3A_151 = arith.constant 340000 : index
    %swap3A_152 = vector.load %arg2[%swap3A_151] : memref<640000xi32, #tpu.memory_space<vmem>>, vector<10000xi32>
    tpu.vector_store %arg2[%swap3A_151], %squeeze3A_150 {strides = array<i32>} : memref<640000xi32, #tpu.memory_space<vmem>>, vector<10000xi32>,
    %slice3A_153 = vector.extract_strided_slice %bitcast_convert_type3A_14 {offsets = [35, 0], sizes = [1, 10000], strides = [1, 1]} : vector<64x10000xi32> to vector<1x10000xi32>
    %squeeze3A_154 = vector.shape_cast %slice3A_153 : vector<1x10000xi32> to vector<10000xi32>
    %swap3A_155 = arith.constant 350000 : index
    %swap3A_156 = vector.load %arg2[%swap3A_155] : memref<640000xi32, #tpu.memory_space<vmem>>, vector<10000xi32>
    tpu.vector_store %arg2[%swap3A_155], %squeeze3A_154 {strides = array<i32>} : memref<640000xi32, #tpu.memory_space<vmem>>, vector<10000xi32>,
    %slice3A_157 = vector.extract_strided_slice %bitcast_convert_type3A_14 {offsets = [36, 0], sizes = [1, 10000], strides = [1, 1]} : vector<64x10000xi32> to vector<1x10000xi32>
    %squeeze3A_158 = vector.shape_cast %slice3A_157 : vector<1x10000xi32> to vector<10000xi32>
    %swap3A_159 = arith.constant 360000 : index
    %swap3A_160 = vector.load %arg2[%swap3A_159] : memref<640000xi32, #tpu.memory_space<vmem>>, vector<10000xi32>
    tpu.vector_store %arg2[%swap3A_159], %squeeze3A_158 {strides = array<i32>} : memref<640000xi32, #tpu.memory_space<vmem>>, vector<10000xi32>,
    %slice3A_161 = vector.extract_strided_slice %bitcast_convert_type3A_14 {offsets = [37, 0], sizes = [1, 10000], strides = [1, 1]} : vector<64x10000xi32> to vector<1x10000xi32>
    %squeeze3A_162 = vector.shape_cast %slice3A_161 : vector<1x10000xi32> to vector<10000xi32>
    %swap3A_163 = arith.constant 370000 : index
    %swap3A_164 = vector.load %arg2[%swap3A_163] : memref<640000xi32, #tpu.memory_space<vmem>>, vector<10000xi32>
    tpu.vector_store %arg2[%swap3A_163], %squeeze3A_162 {strides = array<i32>} : memref<640000xi32, #tpu.memory_space<vmem>>, vector<10000xi32>,
    %slice3A_165 = vector.extract_strided_slice %bitcast_convert_type3A_14 {offsets = [38, 0], sizes = [1, 10000], strides = [1, 1]} : vector<64x10000xi32> to vector<1x10000xi32>
    %squeeze3A_166 = vector.shape_cast %slice3A_165 : vector<1x10000xi32> to vector<10000xi32>
    %swap3A_167 = arith.constant 380000 : index
    %swap3A_168 = vector.load %arg2[%swap3A_167] : memref<640000xi32, #tpu.memory_space<vmem>>, vector<10000xi32>
    tpu.vector_store %arg2[%swap3A_167], %squeeze3A_166 {strides = array<i32>} : memref<640000xi32, #tpu.memory_space<vmem>>, vector<10000xi32>,
    %slice3A_169 = vector.extract_strided_slice %bitcast_convert_type3A_14 {offsets = [39, 0], sizes = [1, 10000], strides = [1, 1]} : vector<64x10000xi32> to vector<1x10000xi32>
    %squeeze3A_170 = vector.shape_cast %slice3A_169 : vector<1x10000xi32> to vector<10000xi32>
    %swap3A_171 = arith.constant 390000 : index
    %swap3A_172 = vector.load %arg2[%swap3A_171] : memref<640000xi32, #tpu.memory_space<vmem>>, vector<10000xi32>
    tpu.vector_store %arg2[%swap3A_171], %squeeze3A_170 {strides = array<i32>} : memref<640000xi32, #tpu.memory_space<vmem>>, vector<10000xi32>,
    %slice3A_173 = vector.extract_strided_slice %bitcast_convert_type3A_14 {offsets = [40, 0], sizes = [1, 10000], strides = [1, 1]} : vector<64x10000xi32> to vector<1x10000xi32>
    %squeeze3A_174 = vector.shape_cast %slice3A_173 : vector<1x10000xi32> to vector<10000xi32>
    %swap3A_175 = arith.constant 400000 : index
    %swap3A_176 = vector.load %arg2[%swap3A_175] : memref<640000xi32, #tpu.memory_space<vmem>>, vector<10000xi32>
    tpu.vector_store %arg2[%swap3A_175], %squeeze3A_174 {strides = array<i32>} : memref<640000xi32, #tpu.memory_space<vmem>>, vector<10000xi32>,
    %slice3A_177 = vector.extract_strided_slice %bitcast_convert_type3A_14 {offsets = [41, 0], sizes = [1, 10000], strides = [1, 1]} : vector<64x10000xi32> to vector<1x10000xi32>
    %squeeze3A_178 = vector.shape_cast %slice3A_177 : vector<1x10000xi32> to vector<10000xi32>
    %swap3A_179 = arith.constant 410000 : index
    %swap3A_180 = vector.load %arg2[%swap3A_179] : memref<640000xi32, #tpu.memory_space<vmem>>, vector<10000xi32>
    tpu.vector_store %arg2[%swap3A_179], %squeeze3A_178 {strides = array<i32>} : memref<640000xi32, #tpu.memory_space<vmem>>, vector<10000xi32>,
    %slice3A_181 = vector.extract_strided_slice %bitcast_convert_type3A_14 {offsets = [42, 0], sizes = [1, 10000], strides = [1, 1]} : vector<64x10000xi32> to vector<1x10000xi32>
    %squeeze3A_182 = vector.shape_cast %slice3A_181 : vector<1x10000xi32> to vector<10000xi32>
    %swap3A_183 = arith.constant 420000 : index
    %swap3A_184 = vector.load %arg2[%swap3A_183] : memref<640000xi32, #tpu.memory_space<vmem>>, vector<10000xi32>
    tpu.vector_store %arg2[%swap3A_183], %squeeze3A_182 {strides = array<i32>} : memref<640000xi32, #tpu.memory_space<vmem>>, vector<10000xi32>,
    %slice3A_185 = vector.extract_strided_slice %bitcast_convert_type3A_14 {offsets = [43, 0], sizes = [1, 10000], strides = [1, 1]} : vector<64x10000xi32> to vector<1x10000xi32>
    %squeeze3A_186 = vector.shape_cast %slice3A_185 : vector<1x10000xi32> to vector<10000xi32>
    %swap3A_187 = arith.constant 430000 : index
    %swap3A_188 = vector.load %arg2[%swap3A_187] : memref<640000xi32, #tpu.memory_space<vmem>>, vector<10000xi32>
    tpu.vector_store %arg2[%swap3A_187], %squeeze3A_186 {strides = array<i32>} : memref<640000xi32, #tpu.memory_space<vmem>>, vector<10000xi32>,
    %slice3A_189 = vector.extract_strided_slice %bitcast_convert_type3A_14 {offsets = [44, 0], sizes = [1, 10000], strides = [1, 1]} : vector<64x10000xi32> to vector<1x10000xi32>
    %squeeze3A_190 = vector.shape_cast %slice3A_189 : vector<1x10000xi32> to vector<10000xi32>
    %swap3A_191 = arith.constant 440000 : index
    %swap3A_192 = vector.load %arg2[%swap3A_191] : memref<640000xi32, #tpu.memory_space<vmem>>, vector<10000xi32>
    tpu.vector_store %arg2[%swap3A_191], %squeeze3A_190 {strides = array<i32>} : memref<640000xi32, #tpu.memory_space<vmem>>, vector<10000xi32>,
    %slice3A_193 = vector.extract_strided_slice %bitcast_convert_type3A_14 {offsets = [45, 0], sizes = [1, 10000], strides = [1, 1]} : vector<64x10000xi32> to vector<1x10000xi32>
    %squeeze3A_194 = vector.shape_cast %slice3A_193 : vector<1x10000xi32> to vector<10000xi32>
    %swap3A_195 = arith.constant 450000 : index
    %swap3A_196 = vector.load %arg2[%swap3A_195] : memref<640000xi32, #tpu.memory_space<vmem>>, vector<10000xi32>
    tpu.vector_store %arg2[%swap3A_195], %squeeze3A_194 {strides = array<i32>} : memref<640000xi32, #tpu.memory_space<vmem>>, vector<10000xi32>,
    %slice3A_197 = vector.extract_strided_slice %bitcast_convert_type3A_14 {offsets = [46, 0], sizes = [1, 10000], strides = [1, 1]} : vector<64x10000xi32> to vector<1x10000xi32>
    %squeeze3A_198 = vector.shape_cast %slice3A_197 : vector<1x10000xi32> to vector<10000xi32>
    %swap3A_199 = arith.constant 460000 : index
    %swap3A_200 = vector.load %arg2[%swap3A_199] : memref<640000xi32, #tpu.memory_space<vmem>>, vector<10000xi32>
    tpu.vector_store %arg2[%swap3A_199], %squeeze3A_198 {strides = array<i32>} : memref<640000xi32, #tpu.memory_space<vmem>>, vector<10000xi32>,
    %slice3A_201 = vector.extract_strided_slice %bitcast_convert_type3A_14 {offsets = [47, 0], sizes = [1, 10000], strides = [1, 1]} : vector<64x10000xi32> to vector<1x10000xi32>
    %squeeze3A_202 = vector.shape_cast %slice3A_201 : vector<1x10000xi32> to vector<10000xi32>
    %swap3A_203 = arith.constant 470000 : index
    %swap3A_204 = vector.load %arg2[%swap3A_203] : memref<640000xi32, #tpu.memory_space<vmem>>, vector<10000xi32>
    tpu.vector_store %arg2[%swap3A_203], %squeeze3A_202 {strides = array<i32>} : memref<640000xi32, #tpu.memory_space<vmem>>, vector<10000xi32>,
    %slice3A_205 = vector.extract_strided_slice %bitcast_convert_type3A_14 {offsets = [48, 0], sizes = [1, 10000], strides = [1, 1]} : vector<64x10000xi32> to vector<1x10000xi32>
    %squeeze3A_206 = vector.shape_cast %slice3A_205 : vector<1x10000xi32> to vector<10000xi32>
    %swap3A_207 = arith.constant 480000 : index
    %swap3A_208 = vector.load %arg2[%swap3A_207] : memref<640000xi32, #tpu.memory_space<vmem>>, vector<10000xi32>
    tpu.vector_store %arg2[%swap3A_207], %squeeze3A_206 {strides = array<i32>} : memref<640000xi32, #tpu.memory_space<vmem>>, vector<10000xi32>,
    %slice3A_209 = vector.extract_strided_slice %bitcast_convert_type3A_14 {offsets = [49, 0], sizes = [1, 10000], strides = [1, 1]} : vector<64x10000xi32> to vector<1x10000xi32>
    %squeeze3A_210 = vector.shape_cast %slice3A_209 : vector<1x10000xi32> to vector<10000xi32>
    %swap3A_211 = arith.constant 490000 : index
    %swap3A_212 = vector.load %arg2[%swap3A_211] : memref<640000xi32, #tpu.memory_space<vmem>>, vector<10000xi32>
    tpu.vector_store %arg2[%swap3A_211], %squeeze3A_210 {strides = array<i32>} : memref<640000xi32, #tpu.memory_space<vmem>>, vector<10000xi32>,
    %slice3A_213 = vector.extract_strided_slice %bitcast_convert_type3A_14 {offsets = [50, 0], sizes = [1, 10000], strides = [1, 1]} : vector<64x10000xi32> to vector<1x10000xi32>
    %squeeze3A_214 = vector.shape_cast %slice3A_213 : vector<1x10000xi32> to vector<10000xi32>
    %swap3A_215 = arith.constant 500000 : index
    %swap3A_216 = vector.load %arg2[%swap3A_215] : memref<640000xi32, #tpu.memory_space<vmem>>, vector<10000xi32>
    tpu.vector_store %arg2[%swap3A_215], %squeeze3A_214 {strides = array<i32>} : memref<640000xi32, #tpu.memory_space<vmem>>, vector<10000xi32>,
    %slice3A_217 = vector.extract_strided_slice %bitcast_convert_type3A_14 {offsets = [51, 0], sizes = [1, 10000], strides = [1, 1]} : vector<64x10000xi32> to vector<1x10000xi32>
    %squeeze3A_218 = vector.shape_cast %slice3A_217 : vector<1x10000xi32> to vector<10000xi32>
    %swap3A_219 = arith.constant 510000 : index
    %swap3A_220 = vector.load %arg2[%swap3A_219] : memref<640000xi32, #tpu.memory_space<vmem>>, vector<10000xi32>
    tpu.vector_store %arg2[%swap3A_219], %squeeze3A_218 {strides = array<i32>} : memref<640000xi32, #tpu.memory_space<vmem>>, vector<10000xi32>,
    %slice3A_221 = vector.extract_strided_slice %bitcast_convert_type3A_14 {offsets = [52, 0], sizes = [1, 10000], strides = [1, 1]} : vector<64x10000xi32> to vector<1x10000xi32>
    %squeeze3A_222 = vector.shape_cast %slice3A_221 : vector<1x10000xi32> to vector<10000xi32>
    %swap3A_223 = arith.constant 520000 : index
    %swap3A_224 = vector.load %arg2[%swap3A_223] : memref<640000xi32, #tpu.memory_space<vmem>>, vector<10000xi32>
    tpu.vector_store %arg2[%swap3A_223], %squeeze3A_222 {strides = array<i32>} : memref<640000xi32, #tpu.memory_space<vmem>>, vector<10000xi32>,
    %slice3A_225 = vector.extract_strided_slice %bitcast_convert_type3A_14 {offsets = [53, 0], sizes = [1, 10000], strides = [1, 1]} : vector<64x10000xi32> to vector<1x10000xi32>
    %squeeze3A_226 = vector.shape_cast %slice3A_225 : vector<1x10000xi32> to vector<10000xi32>
    %swap3A_227 = arith.constant 530000 : index
    %swap3A_228 = vector.load %arg2[%swap3A_227] : memref<640000xi32, #tpu.memory_space<vmem>>, vector<10000xi32>
    tpu.vector_store %arg2[%swap3A_227], %squeeze3A_226 {strides = array<i32>} : memref<640000xi32, #tpu.memory_space<vmem>>, vector<10000xi32>,
    %slice3A_229 = vector.extract_strided_slice %bitcast_convert_type3A_14 {offsets = [54, 0], sizes = [1, 10000], strides = [1, 1]} : vector<64x10000xi32> to vector<1x10000xi32>
    %squeeze3A_230 = vector.shape_cast %slice3A_229 : vector<1x10000xi32> to vector<10000xi32>
    %swap3A_231 = arith.constant 540000 : index
    %swap3A_232 = vector.load %arg2[%swap3A_231] : memref<640000xi32, #tpu.memory_space<vmem>>, vector<10000xi32>
    tpu.vector_store %arg2[%swap3A_231], %squeeze3A_230 {strides = array<i32>} : memref<640000xi32, #tpu.memory_space<vmem>>, vector<10000xi32>,
    %slice3A_233 = vector.extract_strided_slice %bitcast_convert_type3A_14 {offsets = [55, 0], sizes = [1, 10000], strides = [1, 1]} : vector<64x10000xi32> to vector<1x10000xi32>
    %squeeze3A_234 = vector.shape_cast %slice3A_233 : vector<1x10000xi32> to vector<10000xi32>
    %swap3A_235 = arith.constant 550000 : index
    %swap3A_236 = vector.load %arg2[%swap3A_235] : memref<640000xi32, #tpu.memory_space<vmem>>, vector<10000xi32>
    tpu.vector_store %arg2[%swap3A_235], %squeeze3A_234 {strides = array<i32>} : memref<640000xi32, #tpu.memory_space<vmem>>, vector<10000xi32>,
    %slice3A_237 = vector.extract_strided_slice %bitcast_convert_type3A_14 {offsets = [56, 0], sizes = [1, 10000], strides = [1, 1]} : vector<64x10000xi32> to vector<1x10000xi32>
    %squeeze3A_238 = vector.shape_cast %slice3A_237 : vector<1x10000xi32> to vector<10000xi32>
    %swap3A_239 = arith.constant 560000 : index
    %swap3A_240 = vector.load %arg2[%swap3A_239] : memref<640000xi32, #tpu.memory_space<vmem>>, vector<10000xi32>
    tpu.vector_store %arg2[%swap3A_239], %squeeze3A_238 {strides = array<i32>} : memref<640000xi32, #tpu.memory_space<vmem>>, vector<10000xi32>,
    %slice3A_241 = vector.extract_strided_slice %bitcast_convert_type3A_14 {offsets = [57, 0], sizes = [1, 10000], strides = [1, 1]} : vector<64x10000xi32> to vector<1x10000xi32>
    %squeeze3A_242 = vector.shape_cast %slice3A_241 : vector<1x10000xi32> to vector<10000xi32>
    %swap3A_243 = arith.constant 570000 : index
    %swap3A_244 = vector.load %arg2[%swap3A_243] : memref<640000xi32, #tpu.memory_space<vmem>>, vector<10000xi32>
    tpu.vector_store %arg2[%swap3A_243], %squeeze3A_242 {strides = array<i32>} : memref<640000xi32, #tpu.memory_space<vmem>>, vector<10000xi32>,
    %slice3A_245 = vector.extract_strided_slice %bitcast_convert_type3A_14 {offsets = [58, 0], sizes = [1, 10000], strides = [1, 1]} : vector<64x10000xi32> to vector<1x10000xi32>
    %squeeze3A_246 = vector.shape_cast %slice3A_245 : vector<1x10000xi32> to vector<10000xi32>
    %swap3A_247 = arith.constant 580000 : index
    %swap3A_248 = vector.load %arg2[%swap3A_247] : memref<640000xi32, #tpu.memory_space<vmem>>, vector<10000xi32>
    tpu.vector_store %arg2[%swap3A_247], %squeeze3A_246 {strides = array<i32>} : memref<640000xi32, #tpu.memory_space<vmem>>, vector<10000xi32>,
    %slice3A_249 = vector.extract_strided_slice %bitcast_convert_type3A_14 {offsets = [59, 0], sizes = [1, 10000], strides = [1, 1]} : vector<64x10000xi32> to vector<1x10000xi32>
    %squeeze3A_250 = vector.shape_cast %slice3A_249 : vector<1x10000xi32> to vector<10000xi32>
    %swap3A_251 = arith.constant 590000 : index
    %swap3A_252 = vector.load %arg2[%swap3A_251] : memref<640000xi32, #tpu.memory_space<vmem>>, vector<10000xi32>
    tpu.vector_store %arg2[%swap3A_251], %squeeze3A_250 {strides = array<i32>} : memref<640000xi32, #tpu.memory_space<vmem>>, vector<10000xi32>,
    %slice3A_253 = vector.extract_strided_slice %bitcast_convert_type3A_14 {offsets = [60, 0], sizes = [1, 10000], strides = [1, 1]} : vector<64x10000xi32> to vector<1x10000xi32>
    %squeeze3A_254 = vector.shape_cast %slice3A_253 : vector<1x10000xi32> to vector<10000xi32>
    %swap3A_255 = arith.constant 600000 : index
    %swap3A_256 = vector.load %arg2[%swap3A_255] : memref<640000xi32, #tpu.memory_space<vmem>>, vector<10000xi32>
    tpu.vector_store %arg2[%swap3A_255], %squeeze3A_254 {strides = array<i32>} : memref<640000xi32, #tpu.memory_space<vmem>>, vector<10000xi32>,
    %slice3A_257 = vector.extract_strided_slice %bitcast_convert_type3A_14 {offsets = [61, 0], sizes = [1, 10000], strides = [1, 1]} : vector<64x10000xi32> to vector<1x10000xi32>
    %squeeze3A_258 = vector.shape_cast %slice3A_257 : vector<1x10000xi32> to vector<10000xi32>
    %swap3A_259 = arith.constant 610000 : index
    %swap3A_260 = vector.load %arg2[%swap3A_259] : memref<640000xi32, #tpu.memory_space<vmem>>, vector<10000xi32>
    tpu.vector_store %arg2[%swap3A_259], %squeeze3A_258 {strides = array<i32>} : memref<640000xi32, #tpu.memory_space<vmem>>, vector<10000xi32>,
    %slice3A_261 = vector.extract_strided_slice %bitcast_convert_type3A_14 {offsets = [62, 0], sizes = [1, 10000], strides = [1, 1]} : vector<64x10000xi32> to vector<1x10000xi32>
    %squeeze3A_262 = vector.shape_cast %slice3A_261 : vector<1x10000xi32> to vector<10000xi32>
    %swap3A_263 = arith.constant 620000 : index
    %swap3A_264 = vector.load %arg2[%swap3A_263] : memref<640000xi32, #tpu.memory_space<vmem>>, vector<10000xi32>
    tpu.vector_store %arg2[%swap3A_263], %squeeze3A_262 {strides = array<i32>} : memref<640000xi32, #tpu.memory_space<vmem>>, vector<10000xi32>,
    %slice3A_265 = vector.extract_strided_slice %bitcast_convert_type3A_14 {offsets = [63, 0], sizes = [1, 10000], strides = [1, 1]} : vector<64x10000xi32> to vector<1x10000xi32>
    %squeeze3A_266 = vector.shape_cast %slice3A_265 : vector<1x10000xi32> to vector<10000xi32>
    %swap3A_267 = arith.constant 630000 : index
    %swap3A_268 = vector.load %arg2[%swap3A_267] : memref<640000xi32, #tpu.memory_space<vmem>>, vector<10000xi32>
    tpu.vector_store %arg2[%swap3A_267], %squeeze3A_266 {strides = array<i32>} : memref<640000xi32, #tpu.memory_space<vmem>>, vector<10000xi32>,
    return
  }
}

module attributes {stable_mosaic.version = 14 : i64} {
  func.func @body(%arg0: memref<128x10000xf32, #tpu.memory_space<vmem>>, %arg1: memref<64x10240xi32, #tpu.memory_space<vmem>>, %arg2: memref<128x128xf32, #tpu.memory_space<vmem>>, %arg3: memref<128x128xf32, #tpu.memory_space<vmem>>, %arg4: memref<128x1xf32, #tpu.memory_space<vmem>>, %arg5: memref<1x128x10000xf32, #tpu.memory_space<vmem>>) attributes {dimension_semantics = [], scalar_prefetch = 0 : i64, scratch_operands = 0 : i64, tpu.core_type = #tpu.core_type<tc>} {
    %get3A = arith.constant 0 : index
    %get3A_0 = arith.constant 0 : index
    %get3A_1 = vector.load %arg1[%get3A, %get3A_0] : memref<64x10240xi32, #tpu.memory_space<vmem>>, vector<64x10000xi32>
    %shift_left3A = arith.constant 16 : i32
    %shift_left3A_2 = vector.broadcast %shift_left3A : i32 to vector<64x10000xi32>
    %shift_left3A_3 = arith.shli %get3A_1, %shift_left3A_2 : vector<64x10000xi32>
    %bitcast_convert_type3A = tpu.bitcast %shift_left3A_3 : vector<64x10000xi32> -> vector<64x10000xf32>
    %and3A = arith.constant -65536 : i32
    %and3A_4 = vector.broadcast %and3A : i32 to vector<64x10000xi32>
    %and3A_5 = arith.andi %get3A_1, %and3A_4 : vector<64x10000xi32>
    %bitcast_convert_type3A_6 = tpu.bitcast %and3A_5 : vector<64x10000xi32> -> vector<64x10000xf32>
    %concatenate3A = tpu.concatenate %bitcast_convert_type3A, %bitcast_convert_type3A_6 in 0 : vector<64x10000xf32>, vector<64x10000xf32> -> vector<128x10000xf32>
    %get3A_7 = arith.constant 0 : index
    %get3A_8 = arith.constant 0 : index
    %get3A_9 = vector.load %arg2[%get3A_7, %get3A_8] : memref<128x128xf32, #tpu.memory_space<vmem>>, vector<128x128xf32>
    %get3A_10 = arith.constant 0 : index
    %get3A_11 = arith.constant 0 : index
    %get3A_12 = vector.load %arg0[%get3A_10, %get3A_11] : memref<128x10000xf32, #tpu.memory_space<vmem>>, vector<128x10000xf32>
    %dot_general3A = arith.constant dense<0.000000e+00> : vector<128x10000xf32>
    %dot_general3A_13 = tpu.matmul %get3A_9, %get3A_12, %dot_general3A {dimension_numbers = #tpu.dot_dimension_numbers<[1], [0], [0], [1], [0, 0, 1, 1], [], []>, transpose_lhs_hint = false} : vector<128x128xf32>, vector<128x10000xf32>, vector<128x10000xf32> -> vector<128x10000xf32>
    %get3A_14 = arith.constant 0 : index
    %get3A_15 = arith.constant 0 : index
    %get3A_16 = vector.load %arg3[%get3A_14, %get3A_15] : memref<128x128xf32, #tpu.memory_space<vmem>>, vector<128x128xf32>
    %dot_general3A_17 = arith.constant dense<0.000000e+00> : vector<128x10000xf32>
    %dot_general3A_18 = tpu.matmul %get3A_16, %concatenate3A, %dot_general3A_17 {dimension_numbers = #tpu.dot_dimension_numbers<[1], [0], [0], [1], [0, 0, 1, 1], [], []>, transpose_lhs_hint = false} : vector<128x128xf32>, vector<128x10000xf32>, vector<128x10000xf32> -> vector<128x10000xf32>
    %add3A = arith.addf %dot_general3A_13, %dot_general3A_18 : vector<128x10000xf32>
    %max3A = arith.constant 0.000000e+00 : f32
    %max3A_19 = vector.broadcast %max3A : f32 to vector<128x10000xf32>
    %max3A_20 = arith.maximumf %add3A, %max3A_19 : vector<128x10000xf32>
    %get3A_21 = arith.constant 0 : index
    %get3A_22 = arith.constant 0 : index
    %get3A_23 = vector.load %arg4[%get3A_21, %get3A_22] : memref<128x1xf32, #tpu.memory_space<vmem>>, vector<128x1xf32>
    %add3A_24 = vector.broadcast %get3A_23 : vector<128x1xf32> to vector<128x10000xf32>
    %add3A_25 = arith.addf %max3A_20, %add3A_24 : vector<128x10000xf32>
    %mul3A = arith.mulf %add3A_25, %add3A_25 : vector<128x10000xf32>
    %reduce_sum3A = arith.constant dense<0.000000e+00> : vector<10000xf32>
    %reduce_sum3A_26 = vector.multi_reduction <add>, %mul3A, %reduce_sum3A [0] : vector<128x10000xf32> to vector<10000xf32>
    %broadcast_in_dim3A = vector.shape_cast %reduce_sum3A_26 : vector<10000xf32> to vector<1x10000xf32>
    %sqrt3A = math.sqrt %broadcast_in_dim3A : vector<1x10000xf32>
    %max3A_27 = arith.constant 9.99999996E-13 : f32
    %max3A_28 = vector.broadcast %max3A_27 : f32 to vector<1x10000xf32>
    %max3A_29 = arith.maximumf %sqrt3A, %max3A_28 : vector<1x10000xf32>
    %div3A = vector.broadcast %max3A_29 : vector<1x10000xf32> to vector<128x10000xf32>
    %div3A_30 = arith.divf %add3A_25, %div3A : vector<128x10000xf32>
    %swap3A = arith.constant 0 : index
    %swap3A_31 = arith.constant 0 : index
    %swap3A_32 = arith.constant 0 : index
    %swap3A_33 = vector.load %arg5[%swap3A, %swap3A_31, %swap3A_32] : memref<1x128x10000xf32, #tpu.memory_space<vmem>>, vector<1x128x10000xf32>
    %swap3A_34 = vector.shape_cast %swap3A_33 : vector<1x128x10000xf32> to vector<128x10000xf32>
    %swap3A_35 = vector.shape_cast %div3A_30 : vector<128x10000xf32> to vector<1x128x10000xf32>
    tpu.vector_store %arg5[%swap3A, %swap3A_31, %swap3A_32], %swap3A_35 {strides = array<i32>} : memref<1x128x10000xf32, #tpu.memory_space<vmem>>, vector<1x128x10000xf32>,
    return
  }
}

</mosaic_0001>

<sc_bundles>
// kernel: kernel.5.cloned.1.call-start
scs
__scs_entry_jumppad:
0x0: {  	(pc) =	sbr.rel $0x88, $3  }
0x1: {  	(tag) =	ssettag $0x0;
	lr =	simm.s32 $0x1  }
0x2: {  	[smem:$0x3F9C] =	sst lr;
	_ =	strace $0xD0000000  }
0x3: {  	_ = 	snop  }
0x4: {  	_ = 	snop  }
0x5: {  	_ = 	snop  }
0x6: {  	_ = 	snop  }
0x7: {  	_ = 	snop  }
__scs_overlays_trampoline_lowered:
0x8: {  	[smem:$0x3FAB] =	sst s0  }
0x9: {  	[smem:$0x3FAC] =	sst s1  }
0xa: {  	[smem:$0x3FAD] =	sst s2  }
0xb: {  	[smem:$0x3FAE] =	sst s3  }
0xc: {  	[smem:$0x3FAF] =	sst s4  }
0xd: {  	[smem:$0x3FB0] =	sst s5  }
0xe: {  	[smem:$0x3FB1] =	sst s6  }
0xf: {  	[smem:$0x3FB2] =	sst s7  }
0x10: {  	[smem:$0x3FB3] =	sst s8  }
0x11: {  	[smem:$0x3FB4] =	sst s9;
	s0 =	simm.s32 @!p0 $0x0  }
0x12: {  	s1 =	sld [smem:$0x3F9A];
	s0 =	simm.s32 @p0 $0x1  }
0x13: {  	[smem:$0x3FB5] =	sst s0;
	s0 =	simm.s32 @!p1 $0x0  }
0x14: {  	s2 =	sld [smem:$0x3F99];
	s0 =	simm.s32 @p1 $0x1  }
0x15: {  	[smem:$0x3FB6] =	sst s0;
	s0 =	simm.s32 @!p2 $0x0  }
0x16: {  	s3 =	sld [smem:$0x3FDB];
	s0 =	simm.s32 @p2 $0x1  }
0x17: {  	s4 =	simm.s32 $0x1BF5;
	[smem:$0x3FB8] =	sst s0  }
0x18: {  	s0 =	sld [smem:$0x3F9B];
	_ =	swait.ge [sflag:s4], $0x0  }
0x19: {  	s7 =	sld [smem:$0x3F9C]  }
0x1a: {  	s8 =	sadd.s32 $0xFFFFE003, lr  }
0x1b: {  	s9 =	sadd.s32 $0xFFFFFEF7, lr;
	s5 =	simm.s32 $0xFFFFFFFF;
	p2 =	slt.u32 s8, $0xFFFFF086  }
0x1c: {  	p1 =	slt.u32 s9, $0xF7A;
	s5 =	simm.s32 @!p2 $0x0  }
0x1d: {  	s5 =	simm.s32 @p1 $0x1;
	p0 =	seq.s32 s7, s2  }
0x1e: {  	s7 =	smul.u32 @!p0 $0xF7A, s2;
	p2 =	seq.s32 @!p0 s5, $0x0  }
0x1f: {  	s9 =	smul.u32 $0xF7A, s1;
	s8 =	simm.s32 @!p0 $0x1BF5;
	p2 =	por !p2, p0  }
0x20: {  	[sflag:s8] =	ssyncset.s32 @!p0 $0xFFFFF086;
	s6 =	sadd.s32 @!p0 s3, s7;
	s7 =	simm.s32 @!p0 $0x108  }
0x21: {  	s3 =	sadd.s32 s3, s9;
	s6 =	sadd.s32 @!p0 $0x88, s6;
	s7 =	simm.s32 @p2 $0x1082  }
0x22: {  	[simem:s7], [sflag:s8] =	dma.local @!p0 [hbm:s6], $0xF7A  }
0x23: {  	s9 =	sor.u32 $0xD0000000, s2;
	s6 =	simm.s32 $0x108;
	_ =	swait.ge @!p0 [sflag:s8], $0x0  }
0x24: {  	s3 =	sadd.s32 $0x88, s3;
	s6 =	simm.s32 @!p1 $0x1082;
	[sflag:s4] =	ssyncset.s32 $0xFFFFF086  }
0x25: {  	[simem:s6], [sflag:s4] =	dma.local [hbm:s3], $0xF7A  }
0x26: {  	[smem:$0x3F9C] =	sst s1;
	(tag) =	ssettag s2;
	_ =	strace s9  }
0x27: {  	s1 =	sld [smem:$0x3FAC]  }
0x28: {  	s2 =	sld [smem:$0x3FAD]  }
0x29: {  	s4 =	sld [smem:$0x3FAF]  }
0x2a: {  	p0 =	seq.s32 s5, $0x0;
	s5 =	sld [smem:$0x3FB0]  }
0x2b: {  	s6 =	sld [smem:$0x3FB1]  }
0x2c: {  	s7 =	sld [smem:$0x3FB2]  }
0x2d: {  	s3 =	simm.s32 $0x108;
	s8 =	sld [smem:$0x3FB3]  }
0x2e: {  	s3 =	simm.s32 @!p0 $0x1082;
	s9 =	sld [smem:$0x3FB4]  }
0x2f: {  	lr =	sadd.s32 s0, s3;
	s0 =	sld [smem:$0x3FAB]  }
0x30: {  	s3 =	sld [smem:$0x3FAE]  }
0x31: {  	[smem:$0x3FB7] =	sst s10  }
0x32: {  	s10 =	sld [smem:$0x3FB5];
	_ =	sdelay $0x3  }
0x33: {  	p0 =	seq.s32 s10, $0x1;
	s10 =	sld [smem:$0x3FB7];
	_ =	sdelay $0x3  }
0x34: {  	[smem:$0x3FB7] =	sst s10  }
0x35: {  	s10 =	sld [smem:$0x3FB6];
	_ =	sdelay $0x3  }
0x36: {  	p1 =	seq.s32 s10, $0x1;
	s10 =	sld [smem:$0x3FB7];
	_ =	sdelay $0x3  }
0x37: {  	[smem:$0x3FB7] =	sst s10  }
0x38: {  	s10 =	sld [smem:$0x3FB8]  }
0x39: {  	_ = 	snop;
	(pc) =	sbr.ind lr, $3  }
0x3a: {  	_ = 	snop  }
0x3b: {  	_ = 	snop  }
0x3c: {  	p2 =	seq.s32 s10, $0x1;
	s10 =	sld [smem:$0x3FB7]  }
0x3d: {  	_ =	shalt  }
0x3e: {  	_ =	shalt  }
0x3f: {  	_ =	shalt  }
0x40: {  	_ =	shalt  }
0x41: {  	_ =	shalt  }
0x42: {  	_ =	shalt  }
0x43: {  	_ =	shalt  }
0x44: {  	_ =	shalt  }
0x45: {  	_ =	shalt  }
0x46: {  	_ =	shalt  }
0x47: {  	_ =	shalt  }
0x48: {  	_ =	shalt  }
0x49: {  	_ =	shalt  }
0x4a: {  	_ =	shalt  }
0x4b: {  	_ =	shalt  }
0x4c: {  	_ =	shalt  }
0x4d: {  	_ =	shalt  }
0x4e: {  	_ =	shalt  }
0x4f: {  	_ =	shalt  }
0x50: {  	_ =	shalt  }
0x51: {  	_ =	shalt  }
0x52: {  	_ =	shalt  }
0x53: {  	_ =	shalt  }
0x54: {  	_ =	shalt  }
0x55: {  	_ =	shalt  }
0x56: {  	_ =	shalt  }
0x57: {  	_ =	shalt  }
0x58: {  	_ =	shalt  }
0x59: {  	_ =	shalt  }
0x5a: {  	_ =	shalt  }
0x5b: {  	_ =	shalt  }
0x5c: {  	_ =	shalt  }
0x5d: {  	_ =	shalt  }
0x5e: {  	_ =	shalt  }
0x5f: {  	_ =	shalt  }
0x60: {  	_ =	shalt  }
0x61: {  	_ =	shalt  }
0x62: {  	_ =	shalt  }
0x63: {  	_ =	shalt  }
0x64: {  	_ =	shalt  }
0x65: {  	_ =	shalt  }
0x66: {  	_ =	shalt  }
0x67: {  	_ =	shalt  }
0x68: {  	_ =	shalt  }
0x69: {  	_ =	shalt  }
0x6a: {  	_ =	shalt  }
0x6b: {  	_ =	shalt  }
0x6c: {  	_ =	shalt  }
0x6d: {  	_ =	shalt  }
0x6e: {  	_ =	shalt  }
0x6f: {  	_ =	shalt  }
0x70: {  	_ =	shalt  }
0x71: {  	_ =	shalt  }
0x72: {  	_ =	shalt  }
0x73: {  	_ =	shalt  }
0x74: {  	_ =	shalt  }
0x75: {  	_ =	shalt  }
0x76: {  	_ =	shalt  }
0x77: {  	_ =	shalt  }
0x78: {  	_ =	shalt  }
0x79: {  	_ =	shalt  }
0x7a: {  	_ =	shalt  }
0x7b: {  	_ =	shalt  }
0x7c: {  	_ =	shalt  }
0x7d: {  	_ =	shalt  }
0x7e: {  	_ =	shalt  }
0x7f: {  	_ =	shalt  }
0x80: {  	_ =	shalt  }
0x81: {  	_ =	shalt  }
0x82: {  	_ =	shalt  }
0x83: {  	_ =	shalt  }
0x84: {  	_ =	shalt  }
0x85: {  	_ =	shalt  }
0x86: {  	_ =	shalt  }
0x87: {  	_ =	shalt  }
.Lfunc_end0:
.L_simem_size_0:
called_computation_lowered:
.L_overlay_start_0:
0x88: {  	s2 =	sld [smem:$0x3FD9]  }
0x89: {  	s3 =	sld [smem:$0x3FFE];
	_ =	sdelay $0x1  }
0x8a: {  	s1 =	srdreg.scid  }
0x8b: {  	s0 =	sand.u32 $0x1, s1  }
0x8c: {  	s17 =	sshll.u32 s0, $0xA;
	s2 =	sadd.s32 s3, s2  }
0x8d: {  	s2 =	sadd.s32 s2, s17  }
0x8e: {  	[smem:$0x3FC3] =	sst s2  }
0x8f: {  	_ = 	snop  }
0x90: {  	s2 =	sld [smem:$0x3FD0];
	(tm) =	ssettm $0x1  }
0x91: {  	s18 =	sld [smem:$0x3FFB];
	_ =	sdelay $0x3  }
0x92: {  	_ =	strace s18  }
0x93: {  	s3 =	sld [smem:$0x3FFC];
	_ =	sdelay $0x3  }
0x94: {  	_ =	strace s3  }
0x95: {  	s3 =	sld [smem:$0x3FFD];
	_ =	sdelay $0x3  }
0x96: {  	_ =	strace s3  }
0x97: {  	_ =	strace $0x8FFFFFFF  }
0x98: {  	s19 =	sld [smem:$0x3FDB];
	_ =	sdelay $0x1  }
0x99: {  	s4 =	simm.s32 $_scs_section_size  }
0x9a: {  	s5 =	simm.s32 $_size__tile_overlayer_lowered;
	s6 =	simm.s32 $_tile_overlayer_lowered  }
0x9b: {  	s22 =	simm.s32 $0x1BFF;
	s21 =	sshll.u32 s6, $0x1;
	s3 =	sadd.s32 s4, s19  }
0x9c: {  	s7 =	simm.s32 $0x0;
	s20 =	sshll.u32 s5, $0x1;
	s5 =	sadd.s32 s21, s3  }
0x9d: {  	[timem:s7], [sflag:s22] =	dma.local [hbm:s5], s20  }
0x9e: {  	_ =	swait.ge [sflag:s22], s20  }
0x9f: {  	s4 =	ssub.s32 $0x0, s20;
	[sflag:s22] =	ssyncset.done $0x0  }
0xa0: {  	[sflag:s22] =	ssyncadd.s32 s4;
	_ =	sdelay $0x1  }
0xa1: {  	s23 =	simm.s32 $0x1B8B  }
0xa2: {  	_ =	swait.ge [sflag:s23], $0x1  }
0xa3: {  	[sflag:s23] =	ssyncset.done $0x0  }
0xa4: {  	s25 =	simm.s32 $0x1B8E;
	s24 =	sld [smem:$0x3FFE];
	[sflag:s23] =	ssyncadd.s32 $0xFFFFFFFF  }
0xa5: {  	s26 =	simm.s32 $execute0_lowered;
	[smem:$0x3FD2] =	sst s25  }
0xa6: {  	s5 =	sshll.u32 s26, $0x1;
	_ =	strace $0x80000046;
	[dreg:$0x1] =	wrdreg $0xFFFFFFFF  }
0xa7: {  	s28 =	simm.s32 $_size_execute0_lowered;
	s3 =	sadd.s32 s3, s5;
	[dreg:$0x0] =	wrdreg $0x0  }
0xa8: {  	s5 =	sshll.u32 s28, $0x1;
	[dreg:$0x2] =	wrdreg s3  }
0xa9: {  	[dreg:$0x3] =	wrdreg s5  }
0xaa: {  	[dreg:$0x4] =	wrdreg $0xC0  }
0xab: {  	_ =	task [dreg:s7], $0x5FFFF  }
0xac: {  	[dreg:$0x1] =	wrdreg $0xFFFFFFFF  }
0xad: {  	[dreg:$0x0] =	wrdreg $0x60  }
0xae: {  	[dreg:$0x2] =	wrdreg s24  }
0xaf: {  	[dreg:$0x3] =	wrdreg s2  }
0xb0: {  	[dreg:$0x4] =	wrdreg $0x9  }
0xb1: {  	_ =	task.clear_ibuf [dreg:s7], $0x5FFFF;
	_ =	strace $0x90000046  }
0xb2: {  	s29 =	simm.s32 $0x9;
	_ =	strace $0x80000048  }
0xb3: {  	_ =	swait.ge [sflag:s29], $0x1  }
0xb4: {  	[sflag:s29] =	ssyncadd.s32 $0xFFFFFFFF  }
0xb5: {  	_ =	strace $0x90000048  }
0xb6: {  	_ =	sfence  }
0xb7: {  	s30 =	sld [smem:$0x0];
	_ =	sdelay $0x2  }
0xb8: {  	s31 =	sshll.u32 s1, $0xD;
	s1 =	sshrl.u32 s1, $0x2  }
0xb9: {  	s3 =	sand.u32 $0x4000, s31;
	s1 =	sadd.s32 s1, s30  }
0xba: {  	s0 =	sor.u32 s3, s0;
	s1 =	sshll.u32 s1, $0x11  }
0xbb: {  	s0 =	sor.u32 s1, s0  }
0xbc: {  	s0 =	sadd.s32 $0x8F2B, s0  }
0xbd: {  	[sflag:s0] =	ssyncadd.remote.s32 $0x1  }
0xbe: {  	_ =	sfence.sel $0xFFFF  }
0xbf: {  	[dreg:$0x0] =	wrdreg $0xFFFFFFFF;
	(pc) =	sbr.abs _section_cstart, $3  }
0xc0: {  	[dreg:$0x1] =	wrdreg $0xFFFFFFFF  }
0xc1: {  	_ =	task.clear_ibuf [dreg:s7], $0x2FFFF;
	_ =	strace $0x9FFFFFFF  }
0xc2: {  	(tm) =	ssettm $0x7FFFFFFF  }
0xc3: {  	_ =	shalt  }
tec
execute0_lowered:
.L_overlay_start_1:
0x0: {  	(tag) =	ssettag $0x1  }
0x1: {  	s2 =	stileid.u32;
	s3 =	rddreg [dreg:$0x0]  }
0x2: {  	s0 =	srdreg.scid;
	s4 =	rddreg [dreg:$0x1];
	s31 =	simm.s32 $0x5  }
0x3: {  	p0 =	por $0x0, $0x0;
	s1 =	sshll.u32 s2, $0x1;
	s6 =	sshrl.u32 s2, $0x3  }
0x4: {  	s0 =	sand.u32 $0x1, s0;
	s1 =	sand.u32 $0xE, s1;
	s7 =	smul.u32 $0x1400, s6  }
0x5: {  	s2 =	simm.s32 $0x0;
	s6 =	smul.u32 $0x5000, s6;
	s1 =	sor.u32 s0, s1  }
0x6: {  	[smem:$0x7FF] =	sst s2;
	s0 =	ssub.s32 $0x2, s0;
	s5 =	smul.u32 $0x1388, s1  }
0x7: {  	_ =	strace $0x80000047;
	s1 =	smul.u32 $0xA000, s1;
	s8 =	sshrl.u32 s0, $0x1  }
0x8: {  	s10 =	smin.u32 s7, $0x1B10;
	s11 =	smin.u32 s7, $0x1910;
	s13 =	smin.u32 s7, $0x1710  }
0x9: {  	s16 =	smin.u32 s7, $0x1510;
	s18 =	smin.u32 s7, $0x1310;
	s0 =	ssub.s32 s0, s8  }
0xa: {  	s14 =	sshll.u32 s13, $0x2;
	s17 =	sshll.u32 s16, $0x2;
	s13 =	simm.s32 $0x1  }
0xb: {  	s8 =	simm.s32 $0x3;
	s5 =	sadd.s32 s5, s3;
	s3 =	sadd.s32 $0x1A00, s3  }
0xc: {  	s1 =	sor.u32 s7, s1;
	s0 =	smax.u32 s0, $0x1;
	s7 =	simm.s32 $0x2800  }
0xd: {  	s5 =	sadd.s32 $0xB800, s5;
	s28 =	sadd.s32 s3, s6;
	s1 =	sshrl.u32 s1, $0x3  }
0xe: {  	p1 =	sne.s32 s0, $0x1;
	[dreg:$0x3] =	wrdreg s5;
	s26 =	sadd.s32 $0x800, s28  }
0xf: {  	s29 =	sadd.s32 s4, s1;
	s6 =	sadd.s32 $0x1000, s28;
	s30 =	sadd.s32 $0x1800, s28  }
0x10: {  	s1 =	sshll.u32 s10, $0x2;
	s4 =	sshll.u32 s11, $0x2;
	[dreg:$0x4] =	wrdreg s26  }
0x11: {  	s11 =	simm.s32 $0x12440;
	[dreg:$0x5] =	wrdreg s6;
	s9 =	sadd.s32 $0x40, s29  }
0x12: {  	s25 =	sadd.s32 $0x80, s29;
	s26 =	sadd.s32 $0x2000, s28;
	s22 =	sadd.s32 $0xC0, s29  }
0x13: {  	s1 =	sadd.s32 s3, s1;
	s12 =	sadd.s32 s3, s4;
	s20 =	sadd.s32 $0x100, s29  }
0x14: {  	s15 =	sadd.s32 $0x140, s29;
	s4 =	sshll.u32 s18, $0x2;
	s5 =	sadd.s32 $0x200, s29  }
0x15: {  	s18 =	simm.s32 $0x11C40;
	s6 =	simm.s32 $0x4;
	[dreg:$0x6] =	wrdreg s9  }
0x16: {  	s24 =	sadd.s32 $0x2800, s1;
	s21 =	sadd.s32 $0x3000, s12;
	s1 =	sadd.s32 s3, s14  }
.Ltmp0:
0x17: {  	s12 =	sadd.s32 $0x180, s29;
	s9 =	sadd.s32 $0x1C0, s29;
	(pc) =	sbr.rel @!p1 .LBB2_3-.Ltmp0, $4  }
0x18: {  	s23 =	sadd.s32 s3, s4;
	s4 =	simm.s32 $0x200;
	s14 =	simm.s32 $0x2  }
0x19: {  	s19 =	sadd.s32 $0x3800, s1;
	s1 =	sadd.s32 s3, s17;
	s10 =	sadd.s32 $0x4800, s23  }
0x1a: {  	s3 =	sadd.s32 $0x240, s29;
	s23 =	simm.s32 $0x9C40;
	s17 =	simm.s32 $0xDC40  }
0x1b: {  	s16 =	sadd.s32 $0x4000, s1;
	s1 =	sadd.s32 $0xFFFFFFFF, s0;
	s0 =	rddreg [dreg:$0x3]  }
0x1c: {  	[tilespmem:s2], [sflag:$0x5] =	stream.linear.gather [hbm4b:s0+s2], $0x9C40, $0x38;
	[tilespmem:$0x12C40] =	vst v63  }
0x1d: {  	_ =	swait.ge [sflag:s31], $0x9C40  }
0x1e: {  	[sflag:s31] =	ssyncset.done $0x0  }
0x1f: {  	[sflag:s31] =	ssyncadd.s32 $0xFFFF63C0  }
0x20: {  	[tilespmem:s23], [sflag:$0x1] =	stream.linear.gather [hbm4b:s28+s2], $0x4000, $0x38;
	[tilespmem:$0x12C40] =	vst v63  }
0x21: {  	s0 =	rddreg [dreg:$0x4]  }
0x22: {  	[tilespmem:s17], [sflag:$0x2] =	stream.linear.gather [hbm4b:s0+s2], $0x4000, $0x38;
	[tilespmem:$0x12C40] =	vst v63  }
0x23: {  	_ =	swait.ge [sflag:s13], $0x4000  }
0x24: {  	[sflag:s13] =	ssyncset.done $0x0  }
0x25: {  	[sflag:s13] =	ssyncadd.s32 $0xFFFFC000  }
0x26: {  	[hbm4b:s29+s4] =	stream.strided.scatter [tilespmem:s18], [sflag:$0x3], $0x800, s7, s4, $0x38;
	[tilespmem:$0x12C40] =	vst v63  }
0x27: {  	s0 =	rddreg [dreg:$0x5]  }
0x28: {  	[tilespmem:s23], [sflag:$0x1] =	stream.linear.gather [hbm4b:s0+s2], $0x4000, $0x38;
	[tilespmem:$0x12C40] =	vst v63  }
0x29: {  	_ =	swait.ge [sflag:s14], $0x4000  }
0x2a: {  	[sflag:s14] =	ssyncset.done $0x0  }
0x2b: {  	s0 =	rddreg [dreg:$0x6];
	[sflag:s14] =	ssyncadd.s32 $0xFFFFC000  }
0x2c: {  	[hbm4b:s0+s4] =	stream.strided.scatter [tilespmem:s11], [sflag:$0x4], $0x800, s7, s4, $0x38;
	[tilespmem:$0x12C40] =	vst v63  }
0x2d: {  	_ = 	snop  }
0x2e: {  	[tilespmem:s17], [sflag:$0x2] =	stream.linear.gather [hbm4b:s30+s2], $0x4000, $0x38;
	[tilespmem:$0x12C40] =	vst v63  }
0x2f: {  	_ =	swait.ge [sflag:s13], $0x4000  }
0x30: {  	[sflag:s13] =	ssyncset.done $0x0  }
0x31: {  	[sflag:s13] =	ssyncadd.s32 $0xFFFFC000  }
0x32: {  	_ =	swait.ge [sflag:s8], $0x800  }
0x33: {  	[sflag:s8] =	ssyncset.done $0x0  }
0x34: {  	[sflag:s8] =	ssyncadd.s32 $0xFFFFF800  }
0x35: {  	[hbm4b:s25+s4] =	stream.strided.scatter [tilespmem:s18], [sflag:$0x3], $0x800, s7, s4, $0x38;
	[tilespmem:$0x12C40] =	vst v63  }
0x36: {  	_ = 	snop  }
0x37: {  	[tilespmem:s23], [sflag:$0x1] =	stream.linear.gather [hbm4b:s26+s2], $0x4000, $0x38;
	[tilespmem:$0x12C40] =	vst v63  }
0x38: {  	_ =	swait.ge [sflag:s14], $0x4000  }
0x39: {  	[sflag:s14] =	ssyncset.done $0x0  }
0x3a: {  	[sflag:s14] =	ssyncadd.s32 $0xFFFFC000  }
0x3b: {  	_ =	swait.ge [sflag:s6], $0x800  }
0x3c: {  	[sflag:s6] =	ssyncset.done $0x0  }
0x3d: {  	[sflag:s6] =	ssyncadd.s32 $0xFFFFF800  }
0x3e: {  	[hbm4b:s22+s4] =	stream.strided.scatter [tilespmem:s11], [sflag:$0x4], $0x800, s7, s4, $0x38;
	[tilespmem:$0x12C40] =	vst v63  }
0x3f: {  	_ = 	snop  }
0x40: {  	[tilespmem:s17], [sflag:$0x2] =	stream.linear.gather [hbm4b:s24+s2], $0x4000, $0x38;
	[tilespmem:$0x12C40] =	vst v63  }
0x41: {  	_ =	swait.ge [sflag:s13], $0x4000  }
0x42: {  	[sflag:s13] =	ssyncset.done $0x0  }
0x43: {  	[sflag:s13] =	ssyncadd.s32 $0xFFFFC000  }
0x44: {  	_ =	swait.ge [sflag:s8], $0x800  }
0x45: {  	[sflag:s8] =	ssyncset.done $0x0  }
0x46: {  	[sflag:s8] =	ssyncadd.s32 $0xFFFFF800  }
0x47: {  	[hbm4b:s20+s4] =	stream.strided.scatter [tilespmem:s18], [sflag:$0x3], $0x800, s7, s4, $0x38;
	[tilespmem:$0x12C40] =	vst v63  }
0x48: {  	_ = 	snop  }
0x49: {  	[tilespmem:s23], [sflag:$0x1] =	stream.linear.gather [hbm4b:s21+s2], $0x4000, $0x38;
	[tilespmem:$0x12C40] =	vst v63  }
0x4a: {  	_ =	swait.ge [sflag:s14], $0x4000  }
0x4b: {  	[sflag:s14] =	ssyncset.done $0x0  }
0x4c: {  	[sflag:s14] =	ssyncadd.s32 $0xFFFFC000  }
0x4d: {  	_ =	swait.ge [sflag:s6], $0x800  }
0x4e: {  	[sflag:s6] =	ssyncset.done $0x0  }
0x4f: {  	[sflag:s6] =	ssyncadd.s32 $0xFFFFF800  }
0x50: {  	[hbm4b:s15+s4] =	stream.strided.scatter [tilespmem:s11], [sflag:$0x4], $0x800, s7, s4, $0x38;
	[tilespmem:$0x12C40] =	vst v63  }
0x51: {  	_ = 	snop  }
0x52: {  	[tilespmem:s17], [sflag:$0x2] =	stream.linear.gather [hbm4b:s19+s2], $0x4000, $0x38;
	[tilespmem:$0x12C40] =	vst v63  }
0x53: {  	_ =	swait.ge [sflag:s13], $0x4000  }
0x54: {  	[sflag:s13] =	ssyncset.done $0x0  }
0x55: {  	[sflag:s13] =	ssyncadd.s32 $0xFFFFC000  }
0x56: {  	_ =	swait.ge [sflag:s8], $0x800  }
0x57: {  	[sflag:s8] =	ssyncset.done $0x0  }
0x58: {  	[sflag:s8] =	ssyncadd.s32 $0xFFFFF800  }
0x59: {  	[hbm4b:s12+s4] =	stream.strided.scatter [tilespmem:s18], [sflag:$0x3], $0x800, s7, s4, $0x38;
	[tilespmem:$0x12C40] =	vst v63  }
0x5a: {  	_ = 	snop  }
0x5b: {  	[tilespmem:s23], [sflag:$0x1] =	stream.linear.gather [hbm4b:s16+s2], $0x4000, $0x38;
	[tilespmem:$0x12C40] =	vst v63  }
0x5c: {  	_ =	swait.ge [sflag:s14], $0x4000  }
0x5d: {  	[sflag:s14] =	ssyncset.done $0x0  }
0x5e: {  	[sflag:s14] =	ssyncadd.s32 $0xFFFFC000  }
0x5f: {  	_ =	swait.ge [sflag:s6], $0x800  }
0x60: {  	[sflag:s6] =	ssyncset.done $0x0  }
0x61: {  	[sflag:s6] =	ssyncadd.s32 $0xFFFFF800  }
0x62: {  	[hbm4b:s9+s4] =	stream.strided.scatter [tilespmem:s11], [sflag:$0x4], $0x800, s7, s4, $0x38;
	[tilespmem:$0x12C40] =	vst v63  }
0x63: {  	_ = 	snop  }
0x64: {  	[tilespmem:s17], [sflag:$0x2] =	stream.linear.gather [hbm4b:s10+s2], $0x4000, $0x38;
	[tilespmem:$0x12C40] =	vst v63  }
0x65: {  	_ =	swait.ge [sflag:s13], $0x4000  }
0x66: {  	[sflag:s13] =	ssyncset.done $0x0  }
0x67: {  	[sflag:s13] =	ssyncadd.s32 $0xFFFFC000  }
0x68: {  	_ =	swait.ge [sflag:s8], $0x800  }
0x69: {  	[sflag:s8] =	ssyncset.done $0x0  }
0x6a: {  	[sflag:s8] =	ssyncadd.s32 $0xFFFFF800  }
0x6b: {  	[hbm4b:s5+s4] =	stream.strided.scatter [tilespmem:s18], [sflag:$0x3], $0x800, s7, s4, $0x38;
	[tilespmem:$0x12C40] =	vst v63  }
0x6c: {  	_ =	swait.ge [sflag:s14], $0x4000  }
0x6d: {  	[sflag:s14] =	ssyncset.done $0x0  }
0x6e: {  	[sflag:s14] =	ssyncadd.s32 $0xFFFFC000  }
0x6f: {  	_ =	swait.ge [sflag:s6], $0x800  }
0x70: {  	[sflag:s6] =	ssyncset.done $0x0  }
0x71: {  	p1 =	sne.s32 s1, $0x1;
	[sflag:s6] =	ssyncadd.s32 $0xFFFFF800  }
0x72: {  	[hbm4b:s3+s4] =	stream.strided.scatter [tilespmem:s11], [sflag:$0x4], $0x800, s7, s4, $0x38;
	[tilespmem:$0x12C40] =	vst v63  }
.Ltmp1:
0x73: {  	_ =	swait.ge [sflag:s8], $0x800;
	(pc) =	sbr.rel @!p1 .LBB2_3-.Ltmp1, $4  }
0x74: {  	[sflag:s8] =	ssyncset.done $0x0  }
0x75: {  	[sflag:s8] =	ssyncadd.s32 $0xFFFFF800  }
0x76: {  	s1 =	sadd.s32 $0xFFFFFFFF, s1;
	_ =	swait.ge [sflag:s6], $0x800  }
0x77: {  	p0 =	por $0x1, $0x1;
	s0 =	rddreg [dreg:$0x3];
	[sflag:s6] =	ssyncset.done $0x0  }
.LBB2_2:
0x78: {  	[sflag:s6] =	ssyncadd.s32 $0xFFFFF800  }
0x79: {  	[tilespmem:s2], [sflag:$0x5] =	stream.linear.gather [hbm4b:s0+s2], $0x9C40, $0x38;
	[tilespmem:$0x12C40] =	vst v63  }
0x7a: {  	_ =	swait.ge [sflag:s31], $0x9C40  }
0x7b: {  	[sflag:s31] =	ssyncset.done $0x0  }
0x7c: {  	[sflag:s31] =	ssyncadd.s32 $0xFFFF63C0  }
0x7d: {  	[tilespmem:s23], [sflag:$0x1] =	stream.linear.gather [hbm4b:s28+s2], $0x4000, $0x38;
	[tilespmem:$0x12C40] =	vst v63  }
0x7e: {  	s0 =	rddreg [dreg:$0x4]  }
0x7f: {  	[tilespmem:s17], [sflag:$0x2] =	stream.linear.gather [hbm4b:s0+s2], $0x4000, $0x38;
	[tilespmem:$0x12C40] =	vst v63  }
0x80: {  	_ =	swait.ge [sflag:s13], $0x4000  }
0x81: {  	[sflag:s13] =	ssyncset.done $0x0  }
0x82: {  	[sflag:s13] =	ssyncadd.s32 $0xFFFFC000  }
0x83: {  	[hbm4b:s29+s4] =	stream.strided.scatter [tilespmem:s18], [sflag:$0x3], $0x800, s7, s4, $0x38;
	[tilespmem:$0x12C40] =	vst v63  }
0x84: {  	s0 =	rddreg [dreg:$0x5]  }
0x85: {  	[tilespmem:s23], [sflag:$0x1] =	stream.linear.gather [hbm4b:s0+s2], $0x4000, $0x38;
	[tilespmem:$0x12C40] =	vst v63  }
0x86: {  	_ =	swait.ge [sflag:s14], $0x4000  }
0x87: {  	[sflag:s14] =	ssyncset.done $0x0  }
0x88: {  	s0 =	rddreg [dreg:$0x6];
	[sflag:s14] =	ssyncadd.s32 $0xFFFFC000  }
0x89: {  	[hbm4b:s0+s4] =	stream.strided.scatter [tilespmem:s11], [sflag:$0x4], $0x800, s7, s4, $0x38;
	[tilespmem:$0x12C40] =	vst v63  }
0x8a: {  	_ = 	snop  }
0x8b: {  	[tilespmem:s17], [sflag:$0x2] =	stream.linear.gather [hbm4b:s30+s2], $0x4000, $0x38;
	[tilespmem:$0x12C40] =	vst v63  }
0x8c: {  	_ =	swait.ge [sflag:s13], $0x4000  }
0x8d: {  	[sflag:s13] =	ssyncset.done $0x0  }
0x8e: {  	[sflag:s13] =	ssyncadd.s32 $0xFFFFC000  }
0x8f: {  	_ =	swait.ge [sflag:s8], $0x800  }
0x90: {  	[sflag:s8] =	ssyncset.done $0x0  }
0x91: {  	[sflag:s8] =	ssyncadd.s32 $0xFFFFF800  }
0x92: {  	[hbm4b:s25+s4] =	stream.strided.scatter [tilespmem:s18], [sflag:$0x3], $0x800, s7, s4, $0x38;
	[tilespmem:$0x12C40] =	vst v63  }
0x93: {  	_ = 	snop  }
0x94: {  	[tilespmem:s23], [sflag:$0x1] =	stream.linear.gather [hbm4b:s26+s2], $0x4000, $0x38;
	[tilespmem:$0x12C40] =	vst v63  }
0x95: {  	_ =	swait.ge [sflag:s14], $0x4000  }
0x96: {  	[sflag:s14] =	ssyncset.done $0x0  }
0x97: {  	[sflag:s14] =	ssyncadd.s32 $0xFFFFC000  }
0x98: {  	_ =	swait.ge [sflag:s6], $0x800  }
0x99: {  	[sflag:s6] =	ssyncset.done $0x0  }
0x9a: {  	[sflag:s6] =	ssyncadd.s32 $0xFFFFF800  }
0x9b: {  	[hbm4b:s22+s4] =	stream.strided.scatter [tilespmem:s11], [sflag:$0x4], $0x800, s7, s4, $0x38;
	[tilespmem:$0x12C40] =	vst v63  }
0x9c: {  	_ = 	snop  }
0x9d: {  	[tilespmem:s17], [sflag:$0x2] =	stream.linear.gather [hbm4b:s24+s2], $0x4000, $0x38;
	[tilespmem:$0x12C40] =	vst v63  }
0x9e: {  	_ =	swait.ge [sflag:s13], $0x4000  }
0x9f: {  	[sflag:s13] =	ssyncset.done $0x0  }
0xa0: {  	[sflag:s13] =	ssyncadd.s32 $0xFFFFC000  }
0xa1: {  	_ =	swait.ge [sflag:s8], $0x800  }
0xa2: {  	[sflag:s8] =	ssyncset.done $0x0  }
0xa3: {  	[sflag:s8] =	ssyncadd.s32 $0xFFFFF800  }
0xa4: {  	[hbm4b:s20+s4] =	stream.strided.scatter [tilespmem:s18], [sflag:$0x3], $0x800, s7, s4, $0x38;
	[tilespmem:$0x12C40] =	vst v63  }
0xa5: {  	_ = 	snop  }
0xa6: {  	[tilespmem:s23], [sflag:$0x1] =	stream.linear.gather [hbm4b:s21+s2], $0x4000, $0x38;
	[tilespmem:$0x12C40] =	vst v63  }
0xa7: {  	_ =	swait.ge [sflag:s14], $0x4000  }
0xa8: {  	[sflag:s14] =	ssyncset.done $0x0  }
0xa9: {  	[sflag:s14] =	ssyncadd.s32 $0xFFFFC000  }
0xaa: {  	_ =	swait.ge [sflag:s6], $0x800  }
0xab: {  	[sflag:s6] =	ssyncset.done $0x0  }
0xac: {  	[sflag:s6] =	ssyncadd.s32 $0xFFFFF800  }
0xad: {  	[hbm4b:s15+s4] =	stream.strided.scatter [tilespmem:s11], [sflag:$0x4], $0x800, s7, s4, $0x38;
	[tilespmem:$0x12C40] =	vst v63  }
0xae: {  	_ = 	snop  }
0xaf: {  	[tilespmem:s17], [sflag:$0x2] =	stream.linear.gather [hbm4b:s19+s2], $0x4000, $0x38;
	[tilespmem:$0x12C40] =	vst v63  }
0xb0: {  	_ =	swait.ge [sflag:s13], $0x4000  }
0xb1: {  	[sflag:s13] =	ssyncset.done $0x0  }
0xb2: {  	[sflag:s13] =	ssyncadd.s32 $0xFFFFC000  }
0xb3: {  	_ =	swait.ge [sflag:s8], $0x800  }
0xb4: {  	[sflag:s8] =	ssyncset.done $0x0  }
0xb5: {  	[sflag:s8] =	ssyncadd.s32 $0xFFFFF800  }
0xb6: {  	[hbm4b:s12+s4] =	stream.strided.scatter [tilespmem:s18], [sflag:$0x3], $0x800, s7, s4, $0x38;
	[tilespmem:$0x12C40] =	vst v63  }
0xb7: {  	_ = 	snop  }
0xb8: {  	[tilespmem:s23], [sflag:$0x1] =	stream.linear.gather [hbm4b:s16+s2], $0x4000, $0x38;
	[tilespmem:$0x12C40] =	vst v63  }
0xb9: {  	_ =	swait.ge [sflag:s14], $0x4000  }
0xba: {  	[sflag:s14] =	ssyncset.done $0x0  }
0xbb: {  	[sflag:s14] =	ssyncadd.s32 $0xFFFFC000  }
0xbc: {  	_ =	swait.ge [sflag:s6], $0x800  }
0xbd: {  	[sflag:s6] =	ssyncset.done $0x0  }
0xbe: {  	[sflag:s6] =	ssyncadd.s32 $0xFFFFF800  }
0xbf: {  	[hbm4b:s9+s4] =	stream.strided.scatter [tilespmem:s11], [sflag:$0x4], $0x800, s7, s4, $0x38;
	[tilespmem:$0x12C40] =	vst v63  }
0xc0: {  	_ = 	snop  }
0xc1: {  	[tilespmem:s17], [sflag:$0x2] =	stream.linear.gather [hbm4b:s10+s2], $0x4000, $0x38;
	[tilespmem:$0x12C40] =	vst v63  }
0xc2: {  	_ =	swait.ge [sflag:s13], $0x4000  }
0xc3: {  	[sflag:s13] =	ssyncset.done $0x0  }
0xc4: {  	[sflag:s13] =	ssyncadd.s32 $0xFFFFC000  }
0xc5: {  	_ =	swait.ge [sflag:s8], $0x800  }
0xc6: {  	[sflag:s8] =	ssyncset.done $0x0  }
0xc7: {  	[sflag:s8] =	ssyncadd.s32 $0xFFFFF800  }
0xc8: {  	[hbm4b:s5+s4] =	stream.strided.scatter [tilespmem:s18], [sflag:$0x3], $0x800, s7, s4, $0x38;
	[tilespmem:$0x12C40] =	vst v63  }
0xc9: {  	_ =	swait.ge [sflag:s14], $0x4000  }
0xca: {  	[sflag:s14] =	ssyncset.done $0x0  }
0xcb: {  	[sflag:s14] =	ssyncadd.s32 $0xFFFFC000  }
0xcc: {  	_ =	swait.ge [sflag:s6], $0x800  }
0xcd: {  	[sflag:s6] =	ssyncset.done $0x0  }
0xce: {  	p1 =	sne.s32 s1, $0x1;
	[sflag:s6] =	ssyncadd.s32 $0xFFFFF800  }
0xcf: {  	[hbm4b:s3+s4] =	stream.strided.scatter [tilespmem:s11], [sflag:$0x4], $0x800, s7, s4, $0x38;
	[tilespmem:$0x12C40] =	vst v63  }
.Ltmp2:
0xd0: {  	_ =	swait.ge [sflag:s8], $0x800;
	(pc) =	sbr.rel @p1 .LBB2_2-.Ltmp2, $4  }
0xd1: {  	[sflag:s8] =	ssyncset.done $0x0  }
0xd2: {  	[sflag:s8] =	ssyncadd.s32 $0xFFFFF800  }
0xd3: {  	_ =	swait.ge [sflag:s6], $0x800  }
0xd4: {  	s1 =	sadd.s32 $0xFFFFFFFF, s1;
	s0 =	rddreg [dreg:$0x3];
	[sflag:s6] =	ssyncset.done $0x0  }
.LBB2_3:
0xd5: {  	[sflag:s6] =	ssyncadd.s32 @p0 $0xFFFFF800  }
0xd6: {  	[tilespmem:s2], [sflag:$0x5] =	stream.linear.gather [hbm4b:s0+s2], $0x9C40, $0x38;
	[tilespmem:$0x12C40] =	vst v63  }
0xd7: {  	_ =	swait.ge [sflag:s31], $0x9C40  }
0xd8: {  	[sflag:s31] =	ssyncset.done $0x0  }
0xd9: {  	[sflag:s31] =	ssyncadd.s32 $0xFFFF63C0  }
0xda: {  	[tilespmem:s23], [sflag:$0x1] =	stream.linear.gather [hbm4b:s28+s2], $0x4000, $0x38;
	[tilespmem:$0x12C40] =	vst v63  }
0xdb: {  	s1 =	rddreg [dreg:$0x4]  }
0xdc: {  	[tilespmem:s17], [sflag:$0x2] =	stream.linear.gather [hbm4b:s1+s2], $0x4000, $0x38;
	[tilespmem:$0x12C40] =	vst v63  }
0xdd: {  	_ =	swait.ge [sflag:s13], $0x4000  }
0xde: {  	[sflag:s13] =	ssyncset.done $0x0  }
0xdf: {  	[sflag:s13] =	ssyncadd.s32 $0xFFFFC000  }
0xe0: {  	[hbm4b:s29+s4] =	stream.strided.scatter [tilespmem:s18], [sflag:$0x3], $0x800, s7, s4, $0x38;
	[tilespmem:$0x12C40] =	vst v63  }
0xe1: {  	s28 =	rddreg [dreg:$0x5]  }
0xe2: {  	[tilespmem:s23], [sflag:$0x1] =	stream.linear.gather [hbm4b:s28+s2], $0x4000, $0x38;
	[tilespmem:$0x12C40] =	vst v63  }
0xe3: {  	_ =	swait.ge [sflag:s14], $0x4000  }
0xe4: {  	[sflag:s14] =	ssyncset.done $0x0  }
0xe5: {  	s29 =	rddreg [dreg:$0x6];
	[sflag:s14] =	ssyncadd.s32 $0xFFFFC000  }
0xe6: {  	[hbm4b:s29+s4] =	stream.strided.scatter [tilespmem:s11], [sflag:$0x4], $0x800, s7, s4, $0x38;
	[tilespmem:$0x12C40] =	vst v63  }
0xe7: {  	_ = 	snop  }
0xe8: {  	[tilespmem:s17], [sflag:$0x2] =	stream.linear.gather [hbm4b:s30+s2], $0x4000, $0x38;
	[tilespmem:$0x12C40] =	vst v63  }
0xe9: {  	_ =	swait.ge [sflag:s13], $0x4000  }
0xea: {  	[sflag:s13] =	ssyncset.done $0x0  }
0xeb: {  	[sflag:s13] =	ssyncadd.s32 $0xFFFFC000  }
0xec: {  	_ =	swait.ge [sflag:s8], $0x800  }
0xed: {  	[sflag:s8] =	ssyncset.done $0x0  }
0xee: {  	[sflag:s8] =	ssyncadd.s32 $0xFFFFF800  }
0xef: {  	[hbm4b:s25+s4] =	stream.strided.scatter [tilespmem:s18], [sflag:$0x3], $0x800, s7, s4, $0x38;
	[tilespmem:$0x12C40] =	vst v63  }
0xf0: {  	_ = 	snop  }
0xf1: {  	[tilespmem:s23], [sflag:$0x1] =	stream.linear.gather [hbm4b:s26+s2], $0x4000, $0x38;
	[tilespmem:$0x12C40] =	vst v63  }
0xf2: {  	_ =	swait.ge [sflag:s14], $0x4000  }
0xf3: {  	[sflag:s14] =	ssyncset.done $0x0  }
0xf4: {  	[sflag:s14] =	ssyncadd.s32 $0xFFFFC000  }
0xf5: {  	_ =	swait.ge [sflag:s6], $0x800  }
0xf6: {  	[sflag:s6] =	ssyncset.done $0x0  }
0xf7: {  	[sflag:s6] =	ssyncadd.s32 $0xFFFFF800  }
0xf8: {  	[hbm4b:s22+s4] =	stream.strided.scatter [tilespmem:s11], [sflag:$0x4], $0x800, s7, s4, $0x38;
	[tilespmem:$0x12C40] =	vst v63  }
0xf9: {  	_ = 	snop  }
0xfa: {  	[tilespmem:s17], [sflag:$0x2] =	stream.linear.gather [hbm4b:s24+s2], $0x4000, $0x38;
	[tilespmem:$0x12C40] =	vst v63  }
0xfb: {  	_ =	swait.ge [sflag:s13], $0x4000  }
0xfc: {  	[sflag:s13] =	ssyncset.done $0x0  }
0xfd: {  	[sflag:s13] =	ssyncadd.s32 $0xFFFFC000  }
0xfe: {  	_ =	swait.ge [sflag:s8], $0x800  }
0xff: {  	[sflag:s8] =	ssyncset.done $0x0  }
0x100: {  	[sflag:s8] =	ssyncadd.s32 $0xFFFFF800  }
0x101: {  	[hbm4b:s20+s4] =	stream.strided.scatter [tilespmem:s18], [sflag:$0x3], $0x800, s7, s4, $0x38;
	[tilespmem:$0x12C40] =	vst v63  }
0x102: {  	_ = 	snop  }
0x103: {  	[tilespmem:s23], [sflag:$0x1] =	stream.linear.gather [hbm4b:s21+s2], $0x4000, $0x38;
	[tilespmem:$0x12C40] =	vst v63  }
0x104: {  	_ =	swait.ge [sflag:s14], $0x4000  }
0x105: {  	[sflag:s14] =	ssyncset.done $0x0  }
0x106: {  	[sflag:s14] =	ssyncadd.s32 $0xFFFFC000  }
0x107: {  	_ =	swait.ge [sflag:s6], $0x800  }
0x108: {  	[sflag:s6] =	ssyncset.done $0x0  }
0x109: {  	[sflag:s6] =	ssyncadd.s32 $0xFFFFF800  }
0x10a: {  	[hbm4b:s15+s4] =	stream.strided.scatter [tilespmem:s11], [sflag:$0x4], $0x800, s7, s4, $0x38;
	[tilespmem:$0x12C40] =	vst v63  }
0x10b: {  	_ = 	snop  }
0x10c: {  	[tilespmem:s17], [sflag:$0x2] =	stream.linear.gather [hbm4b:s19+s2], $0x4000, $0x38;
	[tilespmem:$0x12C40] =	vst v63  }
0x10d: {  	_ =	swait.ge [sflag:s13], $0x4000  }
0x10e: {  	[sflag:s13] =	ssyncset.done $0x0  }
0x10f: {  	[sflag:s13] =	ssyncadd.s32 $0xFFFFC000  }
0x110: {  	_ =	swait.ge [sflag:s8], $0x800  }
0x111: {  	[sflag:s8] =	ssyncset.done $0x0  }
0x112: {  	[sflag:s8] =	ssyncadd.s32 $0xFFFFF800  }
0x113: {  	[hbm4b:s12+s4] =	stream.strided.scatter [tilespmem:s18], [sflag:$0x3], $0x800, s7, s4, $0x38;
	[tilespmem:$0x12C40] =	vst v63  }
0x114: {  	_ = 	snop  }
0x115: {  	[tilespmem:s23], [sflag:$0x1] =	stream.linear.gather [hbm4b:s16+s2], $0x4000, $0x38;
	[tilespmem:$0x12C40] =	vst v63  }
0x116: {  	_ =	swait.ge [sflag:s14], $0x4000  }
0x117: {  	[sflag:s14] =	ssyncset.done $0x0  }
0x118: {  	[sflag:s14] =	ssyncadd.s32 $0xFFFFC000  }
0x119: {  	_ =	swait.ge [sflag:s6], $0x800  }
0x11a: {  	[sflag:s6] =	ssyncset.done $0x0  }
0x11b: {  	[sflag:s6] =	ssyncadd.s32 $0xFFFFF800  }
0x11c: {  	[hbm4b:s9+s4] =	stream.strided.scatter [tilespmem:s11], [sflag:$0x4], $0x800, s7, s4, $0x38;
	[tilespmem:$0x12C40] =	vst v63  }
0x11d: {  	_ = 	snop  }
0x11e: {  	[tilespmem:s17], [sflag:$0x2] =	stream.linear.gather [hbm4b:s10+s2], $0x4000, $0x38;
	[tilespmem:$0x12C40] =	vst v63  }
0x11f: {  	_ =	swait.ge [sflag:s13], $0x4000  }
0x120: {  	[sflag:s13] =	ssyncset.done $0x0  }
0x121: {  	[sflag:s13] =	ssyncadd.s32 $0xFFFFC000  }
0x122: {  	_ =	swait.ge [sflag:s8], $0x800  }
0x123: {  	[sflag:s8] =	ssyncset.done $0x0  }
0x124: {  	[sflag:s8] =	ssyncadd.s32 $0xFFFFF800  }
0x125: {  	[hbm4b:s5+s4] =	stream.strided.scatter [tilespmem:s18], [sflag:$0x3], $0x800, s7, s4, $0x38;
	[tilespmem:$0x12C40] =	vst v63  }
0x126: {  	_ =	swait.ge [sflag:s14], $0x4000  }
0x127: {  	[sflag:s14] =	ssyncset.done $0x0  }
0x128: {  	[sflag:s14] =	ssyncadd.s32 $0xFFFFC000  }
0x129: {  	_ =	swait.ge [sflag:s6], $0x800  }
0x12a: {  	[sflag:s6] =	ssyncset.done $0x0  }
0x12b: {  	[sflag:s6] =	ssyncadd.s32 $0xFFFFF800  }
0x12c: {  	[hbm4b:s3+s4] =	stream.strided.scatter [tilespmem:s11], [sflag:$0x4], $0x800, s7, s4, $0x38;
	[tilespmem:$0x12C40] =	vst v63  }
0x12d: {  	_ =	swait.ge [sflag:s8], $0x800  }
0x12e: {  	[sflag:s8] =	ssyncset.done $0x0  }
0x12f: {  	[sflag:s8] =	ssyncadd.s32 $0xFFFFF800  }
0x130: {  	_ =	swait.ge [sflag:s6], $0x800  }
0x131: {  	[sflag:s6] =	ssyncset.done $0x0  }
0x132: {  	[sflag:s6] =	ssyncadd.s32 $0xFFFFF800  }
0x133: {  	_ =	sfence.sel $0x180000  }
0x134: {  	[bflag:$0x0] =	sbarrier.arrive $0xFFFF  }
0x135: {  	_ =	strace $0x90000047  }
0x136: {  	s31 =	stileid.u32;
	[bflag:$0x2] =	sbarrier.arrive $0xFFFF  }
0x137: {  	p0 =	sne.s32 s31, $0x0;
	s0 =	rddreg [dreg:$0x2]  }
0x138: {  	s0 =	sadd.s32 @!p0 $0x100000, s0  }
0x139: {  	[sflag:s0] =	ssyncadd.tile.s32 @!p0 $0x1;
	_ =	shalt  }
.Lfunc_end2:
_tile_overlayer_lowered:
.L_overlay_start_2:
0x13a: {  	(tag) =	ssettag $0x2  }
0x13b: {  	s0 =	rddreg [dreg:$0x0];
	s2 =	stileid.u32  }
0x13c: {  	s1 =	rddreg [dreg:$0x1];
	p0 =	sne.s32 s2, $0x0  }
0x13d: {  	s3 =	rddreg [dreg:$0x2];
	[bflag:$0x3] =	sbarrier.arrive $0xFFFF;
	s2 =	simm.s32 @!p0 $0x1C05  }
0x13e: {  	[timem:s3], [sflag:s2] =	dma.local @!p0 [hbm:s0], s1  }
0x13f: {  	s0 =	simm.s32 @!p0 $0x5  }
0x140: {  	_ =	swait.ge @!p0 [sflag:s0], s1  }
0x141: {  	s1 =	ssub.s32 @!p0 $0x0, s1;
	[sflag:s0] =	ssyncset.done @!p0 $0x0  }
0x142: {  	[sflag:s0] =	ssyncadd.s32 @!p0 s1  }
0x143: {  	[bflag:$0x3] =	sbarrier.arrive $0xFFFF  }
0x144: {  	_ =	shalt  }

</sc_bundles>
